<compile_context>
chip_gen: v7x
topology: tpu7x:2x2x1
jax: 0.10.2.dev20260603
libtpu: 0.0.44.dev20260713+nightly
codegen_flags: <defaults>
</compile_context>

<pallas_src>
import functools

import jax
import jax.numpy as jnp
from jax import lax
from jax.experimental import pallas as pl
from jax.experimental.pallas import tpu as pltpu

B = 2
N = 10000
NPAD = 10240
C = 128
M = 1024
K = 16
G = 64

_HI = 1e10
_BIG = 2**30



def _fps_body(xyzs_ref, xyzt_ref, idx_ref, xyz_out_ref):
    xs = xyzs_ref[0]
    ys = xyzs_ref[1]
    zs = xyzs_ref[2]
    sub = lax.broadcasted_iota(jnp.int32, (8, 1280), 0)
    lane = lax.broadcasted_iota(jnp.int32, (8, 1280), 1)
    n_iota = sub * 1280 + lane
    n_iota_f = n_iota.astype(jnp.float32)
    valid = n_iota < N
    valid2 = jnp.concatenate([valid, valid], axis=0)
    d_init = jnp.where(valid2, jnp.float32(_HI), jnp.float32(-1.0))

    def red(v, op):
        return op(op(v, axis=1, keepdims=True), axis=0, keepdims=True)

    idx_ref[0, 0] = 0
    idx_ref[1, 0] = 0
    c0 = xyzt_ref[0, pl.ds(0, 1), :]
    c1 = xyzt_ref[1, pl.ds(0, 1), :]
    xyz_out_ref[0, pl.ds(0, 1), :] = c0
    xyz_out_ref[1, pl.ds(0, 1), :] = c1

    def cvec(a, b):
        return jnp.concatenate(
            [jnp.broadcast_to(a, (8, 1)), jnp.broadcast_to(b, (8, 1))], axis=0)

    cx0 = cvec(c0[:, 0:1], c1[:, 0:1])
    cy0 = cvec(c0[:, 1:2], c1[:, 1:2])
    cz0 = cvec(c0[:, 2:3], c1[:, 2:3])

    def body(i, carry):
        dists, cx, cy, cz = carry
        dx = xs - cx
        dy = ys - cy
        dz = zs - cz
        d = dx * dx + dy * dy + dz * dz
        dists = jnp.minimum(dists, d)
        dhs = [dists[0:8], dists[8:16]]
        ms = [red(dhs[h], jnp.max) for h in (0, 1)]
        fars = [red(jnp.where(dhs[h] == ms[h], n_iota, _BIG), jnp.min)
                for h in (0, 1)]
        ncs = []
        for h in (0, 1):
            far_s = fars[h][0, 0]
            c = xyzt_ref[h, pl.ds(far_s, 1), :]
            idx_ref[h, i + 1] = far_s
            xyz_out_ref[h, pl.ds(i + 1, 1), :] = c
            ncs.append(c)
        ncx = cvec(ncs[0][:, 0:1], ncs[1][:, 0:1])
        ncy = cvec(ncs[0][:, 1:2], ncs[1][:, 1:2])
        ncz = cvec(ncs[0][:, 2:3], ncs[1][:, 2:3])
        return dists, ncx, ncy, ncz

    lax.fori_loop(0, M - 1, body, (d_init, cx0, cy0, cz0))


def _run_fps(xyz):
    xyz_p = jnp.pad(xyz, ((0, 0), (0, 0), (0, NPAD - N)))
    xyzs = xyz_p.reshape(B, 3, 8, 1280).transpose(1, 0, 2, 3).reshape(3, 16, 1280)
    xyzt = jnp.transpose(xyz, (0, 2, 1))
    idx, sxyz = pl.pallas_call(
        _fps_body,
        out_shape=(
            jax.ShapeDtypeStruct((B, M), jnp.int32),
            jax.ShapeDtypeStruct((B, M, 3), jnp.float32),
        ),
        in_specs=[
            pl.BlockSpec(memory_space=pltpu.VMEM),
            pl.BlockSpec(memory_space=pltpu.VMEM),
        ],
        out_specs=(
            pl.BlockSpec(memory_space=pltpu.SMEM),
            pl.BlockSpec(memory_space=pltpu.VMEM),
        ),
    )(xyzs, xyzt)
    return idx, sxyz



def _pre0_body(x_ref, w_ref, xt_ref, pre_ref, p2_ref):
    xb = x_ref[0]
    p2_ref[0] = jnp.sum(xb * xb, axis=0, keepdims=True)
    xtv = jnp.transpose(xb, (1, 0))
    xt_ref[0] = xtv
    pre_ref[0] = jnp.dot(xtv, w_ref[...], preferred_element_type=jnp.float32,
                         precision=lax.Precision.HIGHEST)


def _run_pre0(x, w0bT):
    xt, pre0, p2 = pl.pallas_call(
        _pre0_body,
        grid=(B,),
        in_specs=[
            pl.BlockSpec((1, C, N), lambda b: (b, 0, 0)),
            pl.BlockSpec((C, C), lambda b: (0, 0)),
        ],
        out_specs=(
            pl.BlockSpec((1, N, C), lambda b: (b, 0, 0)),
            pl.BlockSpec((1, N, C), lambda b: (b, 0, 0)),
            pl.BlockSpec((1, 1, N), lambda b: (b, 0, 0)),
        ),
        out_shape=(
            jax.ShapeDtypeStruct((B, N, C), jnp.float32),
            jax.ShapeDtypeStruct((B, N, C), jnp.float32),
            jax.ShapeDtypeStruct((B, 1, N), jnp.float32),
        ),
    )(x, w0bT)
    return xt, pre0, p2



def _sc_info():
    from jax.experimental.pallas import tpu_sc as plsc
    info = plsc.get_sparse_core_info()
    return plsc, info.num_cores, info.num_subcores


def _gather_rows_q(table, idx):
    plsc, NC, NS = _sc_info()
    NW = NC * NS
    rows_w = (B * M) // NW
    mesh = plsc.VectorSubcoreMesh(core_axis_name="c", subcore_axis_name="s")

    @functools.partial(
        pl.kernel, mesh=mesh,
        out_type=jax.ShapeDtypeStruct((B * M, C), jnp.float32),
        scratch_types=[
            pltpu.VMEM((rows_w,), jnp.int32),
            pltpu.VMEM((rows_w, C), jnp.float32),
            pltpu.SemaphoreType.DMA,
        ],
    )
    def k(table_hbm, idx_hbm, out_hbm, idx_v, rows_v, sem):
        wid = lax.axis_index("s") * NC + lax.axis_index("c")
        base = wid * rows_w
        pltpu.sync_copy(idx_hbm.at[pl.ds(base, rows_w)], idx_v)
        pltpu.async_copy(table_hbm.at[idx_v], rows_v, sem).wait()
        pltpu.sync_copy(rows_v, out_hbm.at[pl.ds(base, rows_w)])

    return k(table, idx)


def _gather_rows_g(table, idx3):
    plsc, NC, NS = _sc_info()
    NW = NC * NS
    rows_w = (B * M * K) // NW
    mesh = plsc.VectorSubcoreMesh(core_axis_name="c", subcore_axis_name="s")

    @functools.partial(
        pl.kernel, mesh=mesh,
        out_type=jax.ShapeDtypeStruct((B * M * K, C), jnp.float32),
        scratch_types=[
            pltpu.VMEM((8, 128), jnp.int32),
            pltpu.VMEM((256, C), jnp.float32),
            pltpu.SemaphoreType.DMA,
        ],
    )
    def k(table_hbm, idx_hbm, out_hbm, idx_v, rows_v, sem):
        wid = lax.axis_index("s") * NC + lax.axis_index("c")
        pltpu.sync_copy(idx_hbm.at[wid], idx_v)
        for t in range(4):
            cps = [
                pltpu.async_copy(table_hbm.at[idx_v.at[2 * t + j]],
                                 rows_v.at[pl.ds(j * 128, 128)], sem)
                for j in range(2)
            ]
            for cp in cps:
                cp.wait()
            pltpu.sync_copy(
                rows_v, out_hbm.at[pl.ds(wid * rows_w + t * 256, 256)])

    return k(table, idx3)



TILE_M = 128
NT_M = M // TILE_M
SEL_T = 128
SEL_NT = M // SEL_T


def _select_body(q_ref, x_ref, p2_ref, sidx_ref, out_ref):
    q = q_ref[0]
    xb = x_ref[0]
    p2 = p2_ref[0, 0]
    inner = jnp.dot(q.astype(jnp.bfloat16), xb.astype(jnp.bfloat16),
                    preferred_element_type=jnp.float32)
    q2 = jnp.sum(q * q, axis=1, keepdims=True)
    d = q2 - 2.0 * inner + p2[None, :]
    n_iota = lax.broadcasted_iota(jnp.int32, (SEL_T, N), 1)
    n_iota_f = n_iota.astype(jnp.float32)
    self_col = sidx_ref[0, 0][:, None]
    d = jnp.where(n_iota == self_col, _HI, d)

    prev = None
    for r in range(K):
        if prev is not None:
            d = jnp.where(n_iota_f == prev, _HI, d)
        m = jnp.min(d, axis=1, keepdims=True)
        pen = (d - m) * 1e12 + n_iota_f
        idxf = jnp.min(pen, axis=1, keepdims=True)
        out_ref[0, :, pl.ds(r, 1)] = idxf.astype(jnp.int32)
        prev = idxf


def _run_select(q, x, p2, sampled_idx):
    sidx3 = sampled_idx.reshape(B * SEL_NT, 1, SEL_T)
    idx16 = pl.pallas_call(
        _select_body,
        grid=(B, SEL_NT),
        in_specs=[
            pl.BlockSpec((1, SEL_T, C), lambda b, t: (b, t, 0)),
            pl.BlockSpec((1, C, N), lambda b, t: (b, 0, 0)),
            pl.BlockSpec((1, 1, N), lambda b, t: (b, 0, 0)),
            pl.BlockSpec((1, 1, SEL_T), lambda b, t: (b * SEL_NT + t, 0, 0)),
        ],
        out_specs=pl.BlockSpec((1, SEL_T, K), lambda b, t: (b, t, 0)),
        out_shape=jax.ShapeDtypeStruct((B, M, K), jnp.int32),
    )(q, x, p2.reshape(B, 1, N), sidx3)
    return idx16



def _mlp_body(g_ref, q_ref, w0d_ref, b0_ref, w1a_ref, w1b_ref, b1_ref,
              w2a_ref, w2b_ref, w2c_ref, b2_ref, out_ref):
    q = q_ref[0]
    hp = lax.Precision.HIGHEST

    def mm(a, w):
        return jnp.dot(a, w, preferred_element_type=jnp.float32, precision=hp)

    c0 = mm(q, w0d_ref[...]) + b0_ref[...]
    d1 = mm(q, w1b_ref[...]) + b1_ref[...]
    d2 = mm(q, w2c_ref[...]) + b2_ref[...]

    g = g_ref[0][:, :G]
    c0r = jnp.broadcast_to(c0[:, None, :], (TILE_M, K, G)).reshape(TILE_M * K, G)
    d1r = jnp.broadcast_to(d1[:, None, :], (TILE_M, K, G)).reshape(TILE_M * K, G)
    y0 = jnp.maximum(g + c0r, 0.0)
    y1 = jnp.maximum(mm(y0, w1a_ref[...]) + d1r, 0.0)
    v = mm(y1, w2a_ref[...]) + mm(y0, w2b_ref[...])
    my0 = jnp.max(y0.reshape(TILE_M, K, G), axis=1)
    my1 = jnp.max(y1.reshape(TILE_M, K, G), axis=1)
    mv = jnp.max(v.reshape(TILE_M, K, G), axis=1)
    out_ref[0] = jnp.concatenate(
        [jnp.transpose(mv + d2, (1, 0)), jnp.transpose(my1, (1, 0)),
         jnp.transpose(my0, (1, 0)), jnp.transpose(q, (1, 0))], axis=0)


def _run_mlp(gath, q, w0dT, b0, w1aT, w1bT, b1, w2aT, w2bT, w2cT, b2):
    out = pl.pallas_call(
        _mlp_body,
        grid=(B, NT_M),
        in_specs=[
            pl.BlockSpec((1, TILE_M * K, C), lambda b, t: (b, t, 0)),
            pl.BlockSpec((1, TILE_M, C), lambda b, t: (b, t, 0)),
            pl.BlockSpec((C, G), lambda b, t: (0, 0)),
            pl.BlockSpec((1, G), lambda b, t: (0, 0)),
            pl.BlockSpec((G, G), lambda b, t: (0, 0)),
            pl.BlockSpec((C, G), lambda b, t: (0, 0)),
            pl.BlockSpec((1, G), lambda b, t: (0, 0)),
            pl.BlockSpec((G, G), lambda b, t: (0, 0)),
            pl.BlockSpec((G, G), lambda b, t: (0, 0)),
            pl.BlockSpec((C, G), lambda b, t: (0, 0)),
            pl.BlockSpec((1, G), lambda b, t: (0, 0)),
        ],
        out_specs=pl.BlockSpec((1, 3 * G + C, TILE_M), lambda b, t: (b, 0, t)),
        out_shape=jax.ShapeDtypeStruct((B, 3 * G + C, M), jnp.float32),
    )(gath, q, w0dT, b0.reshape(1, G), w1aT, w1bT, b1.reshape(1, G),
      w2aT, w2bT, w2cT, b2.reshape(1, G))
    return out



def kernel(x, nsample, xyz, W0, b0, W1, b1, W2, b2):
    x = jnp.asarray(x)
    xyz = jnp.asarray(xyz)

    fps_idx, sxyz = _run_fps(xyz)
    sampled_idx = fps_idx + (jnp.asarray(nsample) - M).astype(jnp.int32)
    sampled_xyz = jnp.transpose(sxyz, (0, 2, 1))

    w0bT = jnp.transpose(W0[:, C:], (1, 0))
    w0dT = jnp.transpose(W0[:, :C] - W0[:, C:], (1, 0))
    w1aT = jnp.transpose(W1[:, :G], (1, 0))
    w1bT = jnp.transpose(W1[:, G:], (1, 0))
    w2aT = jnp.transpose(W2[:, :G], (1, 0))
    w2bT = jnp.transpose(W2[:, G:2 * G], (1, 0))
    w2cT = jnp.transpose(W2[:, 2 * G:], (1, 0))

    w0b_pad = jnp.concatenate([w0bT, jnp.zeros((C, C - G), jnp.float32)], axis=1)
    xt, pre0, p2 = _run_pre0(x, w0b_pad)

    boffs = (jnp.arange(B, dtype=jnp.int32) * N)[:, None]
    q = _gather_rows_q(
        xt.reshape(B * N, C),
        (sampled_idx + boffs).reshape(B * M)).reshape(B, M, C)

    idx16 = _run_select(q, x, p2.reshape(B, N), sampled_idx)

    gath = _gather_rows_g(
        pre0.reshape(B * N, C),
        (idx16.reshape(B, M * K) + boffs).reshape(32, 8, 128)
    ).reshape(B, M * K, C)

    y = _run_mlp(gath, q, w0dT, b0, w1aT, w1bT, b1, w2aT, w2bT, w2cT, b2)
    return (y, sampled_xyz, sampled_idx)

# --- scband reference (transcript-rebuilt; emitter-appended) ---
"""Pipeline reference for scband-sampled-dense-edge-conv-89532888252869 (READ-ONLY COPY).

The authoritative reference and input builder live on the scoring server;
editing this copy changes nothing except your own understanding.
"""

import jax, jax.numpy as jnp
import numpy as np

IN_CHANNELS = 128
GROWTH = 64
K = 16

def fps(ptsT, nsample):
    B, N, _ = ptsT.shape
    def body(i, state):
        idx, dists, far = state
        idx = idx.at[:, i].set(far)
        centroid = jnp.take_along_axis(ptsT, far[:, None, None], axis=1)
        d = jnp.sum((ptsT - centroid) ** 2, axis=-1)
        dists = jnp.minimum(dists, d)
        far = jnp.argmax(dists, axis=-1).astype(jnp.int32)
        return (idx, dists, far)
    idx0 = jnp.zeros((B, nsample), dtype=jnp.int32)
    d0 = jnp.full((B, N), 1e10, dtype=ptsT.dtype)
    f0 = jnp.zeros((B,), dtype=jnp.int32)
    idx, _, _ = jax.lax.fori_loop(0, nsample, body, (idx0, d0, f0))
    return idx

def gather_points(x, idx):
    B, C, N = x.shape
    M = idx.shape[1]
    return jnp.take_along_axis(x, jnp.broadcast_to(idx[:, None, :], (B, C, M)), axis=2)

def group_knn(k, query, points):
    B, C, M = query.shape
    q2 = jnp.sum(query ** 2, axis=1)
    p2 = jnp.sum(points ** 2, axis=1)
    inner = jnp.einsum('bcm,bcn->bmn', query, points)
    d = q2[:, :, None] - 2.0 * inner + p2[:, None, :]
    neg_d, idx = jax.lax.top_k(-d, k)
    ptsT = jnp.transpose(points, (0, 2, 1))
    b_idx = jnp.arange(B)[:, None, None]
    knn = ptsT[b_idx, idx]
    knn = jnp.transpose(knn, (0, 3, 1, 2))
    return knn, idx, -neg_d

def conv1x1(x, W, b):
    return jnp.einsum('bcnk,oc->bonk', x, W) + b[None, :, None, None]

def setup_inputs(seed: int = 0):
    key = jax.random.key(seed)
    ks = jax.random.split(key, 8)
    x = jax.random.normal(ks[0], (2, IN_CHANNELS, 10000), dtype=jnp.float32)
    xyz = jax.random.normal(ks[1], (2, 3, 10000), dtype=jnp.float32)
    W0 = jax.random.normal(ks[2], (GROWTH, 2 * IN_CHANNELS), dtype=jnp.float32) * 0.05
    b0 = jnp.zeros((GROWTH,), dtype=jnp.float32)
    W1 = jax.random.normal(ks[3], (GROWTH, IN_CHANNELS + GROWTH), dtype=jnp.float32) * 0.05
    b1 = jnp.zeros((GROWTH,), dtype=jnp.float32)
    W2 = jax.random.normal(ks[4], (GROWTH, IN_CHANNELS + 2 * GROWTH), dtype=jnp.float32) * 0.05
    b2 = jnp.zeros((GROWTH,), dtype=jnp.float32)
    return {"x": x, "nsample": 1024, "xyz": xyz, "W0": W0, "b0": b0, "W1": W1, "b1": b1, "W2": W2, "b2": b2}

def reference(x, nsample, xyz, W0, b0, W1, b1, W2, b2):
    B, C, N = x.shape
    nsample_static = 1024
    xyzT = jnp.transpose(xyz, (0, 2, 1))
    sampled_idx = fps(xyzT, nsample_static)
    sampled_idx = sampled_idx + (jnp.asarray(nsample) - nsample_static).astype(jnp.int32)
    sampled_xyz = gather_points(xyz, sampled_idx)
    sampled_x = gather_points(x, sampled_idx)
    knn_point, idx, _ = group_knn(K + 1, sampled_x, x)
    idx = idx[:, :, 1:]
    knn_point = knn_point[:, :, :, 1:]
    center = sampled_x[:, :, :, None]
    edge = jnp.concatenate([jnp.broadcast_to(center, knn_point.shape), knn_point - center], axis=1)
    sx = jnp.broadcast_to(sampled_x[:, :, :, None], (B, C, nsample_static, K))
    y = jnp.concatenate([jax.nn.relu(conv1x1(edge, W0, b0)), sx], axis=1)
    y = jnp.concatenate([jax.nn.relu(conv1x1(y, W1, b1)), y], axis=1)
    y = jnp.concatenate([conv1x1(y, W2, b2), y], axis=1)
    y = jnp.max(y, axis=-1)
    return (y, sampled_xyz, sampled_idx)

if __name__ == "__main__":
    import jax
    _d = setup_inputs()
    print(jax.jit(kernel)(*tuple(_d.values())))

</pallas_src>

<mosaic_0001>
#map = affine_map<(d0, d1) -> (0, 0)>
#map1 = affine_map<(d0, d1) -> (0, 0, 0)>
module attributes {stable_mosaic.version = 14 : i64} {
  func.func @k(%arg0: i32, %arg1: i32, %arg2: memref<20000x128xf32, #tpu.memory_space<hbm>>, %arg3: memref<32x8x128xi32, #tpu.memory_space<hbm>>, %arg4: memref<32768x128xf32, #tpu.memory_space<hbm>>, %arg5: memref<8x128xi32, #tpu.memory_space<vmem>>, %arg6: memref<256x128xf32, #tpu.memory_space<vmem>>, %arg7: memref<!tpu.dma_semaphore, #tpu.memory_space<semaphore_mem>>) attributes {dimension_semantics = [#tpu.dimension_semantics<core_parallel>, #tpu.dimension_semantics<subcore_parallel>], iteration_bounds = array<i64: 2, 16>, scalar_prefetch = 0 : i64, scratch_operands = 3 : i64, tpu.core_type = #tpu.core_type<sc_vector_subcore>, window_params = [{transform_indices = #map}, {transform_indices = #map1}, {transform_indices = #map}]} {
    %mul3A = arith.constant 2 : i32
    %mul3A_0 = arith.muli %arg1, %mul3A : i32
    %add3A = arith.addi %mul3A_0, %arg0 : i32
    "tpu.region"() ({
      %run_scoped3A = tpu.sem_alloc : memref<!tpu.dma_semaphore, #tpu.memory_space<semaphore_mem>>
      %dma_start3A_175 = arith.constant 0 : i32
      %dma_start3A_176 = arith.constant 0 : i32
      %dma_start3A_177 = tpu.memref_slice %arg3[%add3A, %dma_start3A_175, %dma_start3A_176] : memref<32x8x128xi32, #tpu.memory_space<hbm>> -> memref<1x8x128xi32, #tpu.memory_space<hbm>>
      %dma_start3A_178 = tpu.memref_squeeze %dma_start3A_177 : memref<1x8x128xi32, #tpu.memory_space<hbm>> -> memref<8x128xi32, #tpu.memory_space<hbm>>
      %dma_start3A_179 = arith.constant 0 : i32
      %dma_start3A_180 = arith.constant 0 : i32
      %dma_start3A_181 = tpu.memref_slice %arg3[%add3A, %dma_start3A_179, %dma_start3A_180] : memref<32x8x128xi32, #tpu.memory_space<hbm>> -> memref<1x8x128xi32, #tpu.memory_space<hbm>>
      %dma_start3A_182 = tpu.memref_squeeze %dma_start3A_181 : memref<1x8x128xi32, #tpu.memory_space<hbm>> -> memref<8x128xi32, #tpu.memory_space<hbm>>
      tpu.enqueue_dma source(%dma_start3A_182 : memref<8x128xi32, #tpu.memory_space<hbm>>) target(%arg5 : memref<8x128xi32, #tpu.memory_space<vmem>>) target_semaphore(%run_scoped3A : memref<!tpu.dma_semaphore, #tpu.memory_space<semaphore_mem>>)
      %dma_wait3A_183 = arith.constant 0 : i32
      %dma_wait3A_184 = arith.constant 0 : i32
      %dma_wait3A_185 = tpu.memref_slice %arg3[%add3A, %dma_wait3A_183, %dma_wait3A_184] : memref<32x8x128xi32, #tpu.memory_space<hbm>> -> memref<1x8x128xi32, #tpu.memory_space<hbm>>
      %dma_wait3A_186 = tpu.memref_squeeze %dma_wait3A_185 : memref<1x8x128xi32, #tpu.memory_space<hbm>> -> memref<8x128xi32, #tpu.memory_space<hbm>>
      %dma_wait3A_187 = arith.constant 0 : i32
      %dma_wait3A_188 = arith.constant 0 : i32
      %dma_wait3A_189 = tpu.memref_slice %arg3[%add3A, %dma_wait3A_187, %dma_wait3A_188] : memref<32x8x128xi32, #tpu.memory_space<hbm>> -> memref<1x8x128xi32, #tpu.memory_space<hbm>>
      %dma_wait3A_190 = tpu.memref_squeeze %dma_wait3A_189 : memref<1x8x128xi32, #tpu.memory_space<hbm>> -> memref<8x128xi32, #tpu.memory_space<hbm>>
      tpu.wait_dma2 semaphore(%run_scoped3A : memref<!tpu.dma_semaphore, #tpu.memory_space<semaphore_mem>>) src(%dma_wait3A_190 : memref<8x128xi32, #tpu.memory_space<hbm>>) dst(%arg5 : memref<8x128xi32, #tpu.memory_space<vmem>>)
      tpu.yield
    }) : () -> ()
    %dma_start3A = arith.constant 0 : i32
    %dma_start3A_1 = arith.constant 0 : i32
    %dma_start3A_2 = arith.constant 0 : i32
    %dma_start3A_3 = tpu.memref_slice %arg6[%dma_start3A_1, %dma_start3A_2] : memref<256x128xf32, #tpu.memory_space<vmem>> -> memref<128x128xf32, #tpu.memory_space<vmem>>
    %dma_start3A_4 = arith.constant 0 : i32
    %dma_start3A_5 = tpu.memref_slice %arg5[%dma_start3A, %dma_start3A_4] : memref<8x128xi32, #tpu.memory_space<vmem>> -> memref<1x128xi32, #tpu.memory_space<vmem>>
    %dma_start3A_6 = tpu.memref_squeeze %dma_start3A_5 : memref<1x128xi32, #tpu.memory_space<vmem>> -> memref<128xi32, #tpu.memory_space<vmem>>
    %dma_start3A_7 = arith.constant 0 : i32
    %dma_start3A_8 = arith.constant 0 : i32
    %dma_start3A_9 = tpu.memref_slice %arg2[%dma_start3A_7, %dma_start3A_8] : memref<20000x128xf32, #tpu.memory_space<hbm>> -> memref<20000x128xf32, #tpu.memory_space<hbm>>
    tpu.enqueue_indirect_dma source(%dma_start3A_9 : memref<20000x128xf32, #tpu.memory_space<hbm>>) target(%dma_start3A_3 : memref<128x128xf32, #tpu.memory_space<vmem>>) offsets(%dma_start3A_6 : memref<128xi32, #tpu.memory_space<vmem>>) semaphore(%arg7 : memref<!tpu.dma_semaphore, #tpu.memory_space<semaphore_mem>>)
    %dma_start3A_10 = arith.constant 1 : i32
    %dma_start3A_11 = arith.constant 128 : i32
    %dma_start3A_12 = arith.constant 0 : i32
    %dma_start3A_13 = tpu.memref_slice %arg6[%dma_start3A_11, %dma_start3A_12] : memref<256x128xf32, #tpu.memory_space<vmem>> -> memref<128x128xf32, #tpu.memory_space<vmem>>
    %dma_start3A_14 = arith.constant 0 : i32
    %dma_start3A_15 = tpu.memref_slice %arg5[%dma_start3A_10, %dma_start3A_14] : memref<8x128xi32, #tpu.memory_space<vmem>> -> memref<1x128xi32, #tpu.memory_space<vmem>>
    %dma_start3A_16 = tpu.memref_squeeze %dma_start3A_15 : memref<1x128xi32, #tpu.memory_space<vmem>> -> memref<128xi32, #tpu.memory_space<vmem>>
    %dma_start3A_17 = arith.constant 0 : i32
    %dma_start3A_18 = arith.constant 0 : i32
    %dma_start3A_19 = tpu.memref_slice %arg2[%dma_start3A_17, %dma_start3A_18] : memref<20000x128xf32, #tpu.memory_space<hbm>> -> memref<20000x128xf32, #tpu.memory_space<hbm>>
    tpu.enqueue_indirect_dma source(%dma_start3A_19 : memref<20000x128xf32, #tpu.memory_space<hbm>>) target(%dma_start3A_13 : memref<128x128xf32, #tpu.memory_space<vmem>>) offsets(%dma_start3A_16 : memref<128xi32, #tpu.memory_space<vmem>>) semaphore(%arg7 : memref<!tpu.dma_semaphore, #tpu.memory_space<semaphore_mem>>)
    %dma_wait3A = arith.constant 0 : i32
    %dma_wait3A_20 = arith.constant 0 : i32
    %dma_wait3A_21 = arith.constant 0 : i32
    %dma_wait3A_22 = tpu.memref_slice %arg6[%dma_wait3A_20, %dma_wait3A_21] : memref<256x128xf32, #tpu.memory_space<vmem>> -> memref<128x128xf32, #tpu.memory_space<vmem>>
    %dma_wait3A_23 = arith.constant 0 : i32
    %dma_wait3A_24 = tpu.memref_slice %arg5[%dma_wait3A, %dma_wait3A_23] : memref<8x128xi32, #tpu.memory_space<vmem>> -> memref<1x128xi32, #tpu.memory_space<vmem>>
    %dma_wait3A_25 = tpu.memref_squeeze %dma_wait3A_24 : memref<1x128xi32, #tpu.memory_space<vmem>> -> memref<128xi32, #tpu.memory_space<vmem>>
    %dma_wait3A_26 = arith.constant 0 : i32
    %dma_wait3A_27 = arith.constant 0 : i32
    %dma_wait3A_28 = tpu.memref_slice %arg2[%dma_wait3A_26, %dma_wait3A_27] : memref<20000x128xf32, #tpu.memory_space<hbm>> -> memref<20000x128xf32, #tpu.memory_space<hbm>>
    tpu.wait_indirect_dma semaphore(%arg7 : memref<!tpu.dma_semaphore, #tpu.memory_space<semaphore_mem>>) src(%dma_wait3A_28 : memref<20000x128xf32, #tpu.memory_space<hbm>>) dst(%dma_wait3A_22 : memref<128x128xf32, #tpu.memory_space<vmem>>)
    %dma_wait3A_29 = arith.constant 1 : i32
    %dma_wait3A_30 = arith.constant 128 : i32
    %dma_wait3A_31 = arith.constant 0 : i32
    %dma_wait3A_32 = tpu.memref_slice %arg6[%dma_wait3A_30, %dma_wait3A_31] : memref<256x128xf32, #tpu.memory_space<vmem>> -> memref<128x128xf32, #tpu.memory_space<vmem>>
    %dma_wait3A_33 = arith.constant 0 : i32
    %dma_wait3A_34 = tpu.memref_slice %arg5[%dma_wait3A_29, %dma_wait3A_33] : memref<8x128xi32, #tpu.memory_space<vmem>> -> memref<1x128xi32, #tpu.memory_space<vmem>>
    %dma_wait3A_35 = tpu.memref_squeeze %dma_wait3A_34 : memref<1x128xi32, #tpu.memory_space<vmem>> -> memref<128xi32, #tpu.memory_space<vmem>>
    %dma_wait3A_36 = arith.constant 0 : i32
    %dma_wait3A_37 = arith.constant 0 : i32
    %dma_wait3A_38 = tpu.memref_slice %arg2[%dma_wait3A_36, %dma_wait3A_37] : memref<20000x128xf32, #tpu.memory_space<hbm>> -> memref<20000x128xf32, #tpu.memory_space<hbm>>
    tpu.wait_indirect_dma semaphore(%arg7 : memref<!tpu.dma_semaphore, #tpu.memory_space<semaphore_mem>>) src(%dma_wait3A_38 : memref<20000x128xf32, #tpu.memory_space<hbm>>) dst(%dma_wait3A_32 : memref<128x128xf32, #tpu.memory_space<vmem>>)
    %mul3A_39 = arith.constant 1024 : i32
    %mul3A_40 = arith.muli %add3A, %mul3A_39 : i32
    %add3A_41 = arith.constant 0 : i32
    %add3A_42 = arith.addi %mul3A_40, %add3A_41 : i32
    "tpu.region"() ({
      %run_scoped3A = tpu.sem_alloc : memref<!tpu.dma_semaphore, #tpu.memory_space<semaphore_mem>>
      %dma_start3A_175 = arith.constant 0 : i32
      %dma_start3A_176 = tpu.memref_slice %arg4[%add3A_42, %dma_start3A_175] : memref<32768x128xf32, #tpu.memory_space<hbm>> -> memref<256x128xf32, #tpu.memory_space<hbm>>
      %dma_start3A_177 = arith.constant 0 : i32
      %dma_start3A_178 = tpu.memref_slice %arg4[%add3A_42, %dma_start3A_177] : memref<32768x128xf32, #tpu.memory_space<hbm>> -> memref<256x128xf32, #tpu.memory_space<hbm>>
      tpu.enqueue_dma source(%arg6 : memref<256x128xf32, #tpu.memory_space<vmem>>) target(%dma_start3A_178 : memref<256x128xf32, #tpu.memory_space<hbm>>) target_semaphore(%run_scoped3A : memref<!tpu.dma_semaphore, #tpu.memory_space<semaphore_mem>>)
      %dma_wait3A_179 = arith.constant 0 : i32
      %dma_wait3A_180 = tpu.memref_slice %arg4[%add3A_42, %dma_wait3A_179] : memref<32768x128xf32, #tpu.memory_space<hbm>> -> memref<256x128xf32, #tpu.memory_space<hbm>>
      %dma_wait3A_181 = arith.constant 0 : i32
      %dma_wait3A_182 = tpu.memref_slice %arg4[%add3A_42, %dma_wait3A_181] : memref<32768x128xf32, #tpu.memory_space<hbm>> -> memref<256x128xf32, #tpu.memory_space<hbm>>
      tpu.wait_dma2 semaphore(%run_scoped3A : memref<!tpu.dma_semaphore, #tpu.memory_space<semaphore_mem>>) src(%arg6 : memref<256x128xf32, #tpu.memory_space<vmem>>) dst(%dma_wait3A_182 : memref<256x128xf32, #tpu.memory_space<hbm>>)
      tpu.yield
    }) : () -> ()
    %dma_start3A_43 = arith.constant 2 : i32
    %dma_start3A_44 = arith.constant 0 : i32
    %dma_start3A_45 = arith.constant 0 : i32
    %dma_start3A_46 = tpu.memref_slice %arg6[%dma_start3A_44, %dma_start3A_45] : memref<256x128xf32, #tpu.memory_space<vmem>> -> memref<128x128xf32, #tpu.memory_space<vmem>>
    %dma_start3A_47 = arith.constant 0 : i32
    %dma_start3A_48 = tpu.memref_slice %arg5[%dma_start3A_43, %dma_start3A_47] : memref<8x128xi32, #tpu.memory_space<vmem>> -> memref<1x128xi32, #tpu.memory_space<vmem>>
    %dma_start3A_49 = tpu.memref_squeeze %dma_start3A_48 : memref<1x128xi32, #tpu.memory_space<vmem>> -> memref<128xi32, #tpu.memory_space<vmem>>
    %dma_start3A_50 = arith.constant 0 : i32
    %dma_start3A_51 = arith.constant 0 : i32
    %dma_start3A_52 = tpu.memref_slice %arg2[%dma_start3A_50, %dma_start3A_51] : memref<20000x128xf32, #tpu.memory_space<hbm>> -> memref<20000x128xf32, #tpu.memory_space<hbm>>
    tpu.enqueue_indirect_dma source(%dma_start3A_52 : memref<20000x128xf32, #tpu.memory_space<hbm>>) target(%dma_start3A_46 : memref<128x128xf32, #tpu.memory_space<vmem>>) offsets(%dma_start3A_49 : memref<128xi32, #tpu.memory_space<vmem>>) semaphore(%arg7 : memref<!tpu.dma_semaphore, #tpu.memory_space<semaphore_mem>>)
    %dma_start3A_53 = arith.constant 3 : i32
    %dma_start3A_54 = arith.constant 128 : i32
    %dma_start3A_55 = arith.constant 0 : i32
    %dma_start3A_56 = tpu.memref_slice %arg6[%dma_start3A_54, %dma_start3A_55] : memref<256x128xf32, #tpu.memory_space<vmem>> -> memref<128x128xf32, #tpu.memory_space<vmem>>
    %dma_start3A_57 = arith.constant 0 : i32
    %dma_start3A_58 = tpu.memref_slice %arg5[%dma_start3A_53, %dma_start3A_57] : memref<8x128xi32, #tpu.memory_space<vmem>> -> memref<1x128xi32, #tpu.memory_space<vmem>>
    %dma_start3A_59 = tpu.memref_squeeze %dma_start3A_58 : memref<1x128xi32, #tpu.memory_space<vmem>> -> memref<128xi32, #tpu.memory_space<vmem>>
    %dma_start3A_60 = arith.constant 0 : i32
    %dma_start3A_61 = arith.constant 0 : i32
    %dma_start3A_62 = tpu.memref_slice %arg2[%dma_start3A_60, %dma_start3A_61] : memref<20000x128xf32, #tpu.memory_space<hbm>> -> memref<20000x128xf32, #tpu.memory_space<hbm>>
    tpu.enqueue_indirect_dma source(%dma_start3A_62 : memref<20000x128xf32, #tpu.memory_space<hbm>>) target(%dma_start3A_56 : memref<128x128xf32, #tpu.memory_space<vmem>>) offsets(%dma_start3A_59 : memref<128xi32, #tpu.memory_space<vmem>>) semaphore(%arg7 : memref<!tpu.dma_semaphore, #tpu.memory_space<semaphore_mem>>)
    %dma_wait3A_63 = arith.constant 2 : i32
    %dma_wait3A_64 = arith.constant 0 : i32
    %dma_wait3A_65 = arith.constant 0 : i32
    %dma_wait3A_66 = tpu.memref_slice %arg6[%dma_wait3A_64, %dma_wait3A_65] : memref<256x128xf32, #tpu.memory_space<vmem>> -> memref<128x128xf32, #tpu.memory_space<vmem>>
    %dma_wait3A_67 = arith.constant 0 : i32
    %dma_wait3A_68 = tpu.memref_slice %arg5[%dma_wait3A_63, %dma_wait3A_67] : memref<8x128xi32, #tpu.memory_space<vmem>> -> memref<1x128xi32, #tpu.memory_space<vmem>>
    %dma_wait3A_69 = tpu.memref_squeeze %dma_wait3A_68 : memref<1x128xi32, #tpu.memory_space<vmem>> -> memref<128xi32, #tpu.memory_space<vmem>>
    %dma_wait3A_70 = arith.constant 0 : i32
    %dma_wait3A_71 = arith.constant 0 : i32
    %dma_wait3A_72 = tpu.memref_slice %arg2[%dma_wait3A_70, %dma_wait3A_71] : memref<20000x128xf32, #tpu.memory_space<hbm>> -> memref<20000x128xf32, #tpu.memory_space<hbm>>
    tpu.wait_indirect_dma semaphore(%arg7 : memref<!tpu.dma_semaphore, #tpu.memory_space<semaphore_mem>>) src(%dma_wait3A_72 : memref<20000x128xf32, #tpu.memory_space<hbm>>) dst(%dma_wait3A_66 : memref<128x128xf32, #tpu.memory_space<vmem>>)
    %dma_wait3A_73 = arith.constant 3 : i32
    %dma_wait3A_74 = arith.constant 128 : i32
    %dma_wait3A_75 = arith.constant 0 : i32
    %dma_wait3A_76 = tpu.memref_slice %arg6[%dma_wait3A_74, %dma_wait3A_75] : memref<256x128xf32, #tpu.memory_space<vmem>> -> memref<128x128xf32, #tpu.memory_space<vmem>>
    %dma_wait3A_77 = arith.constant 0 : i32
    %dma_wait3A_78 = tpu.memref_slice %arg5[%dma_wait3A_73, %dma_wait3A_77] : memref<8x128xi32, #tpu.memory_space<vmem>> -> memref<1x128xi32, #tpu.memory_space<vmem>>
    %dma_wait3A_79 = tpu.memref_squeeze %dma_wait3A_78 : memref<1x128xi32, #tpu.memory_space<vmem>> -> memref<128xi32, #tpu.memory_space<vmem>>
    %dma_wait3A_80 = arith.constant 0 : i32
    %dma_wait3A_81 = arith.constant 0 : i32
    %dma_wait3A_82 = tpu.memref_slice %arg2[%dma_wait3A_80, %dma_wait3A_81] : memref<20000x128xf32, #tpu.memory_space<hbm>> -> memref<20000x128xf32, #tpu.memory_space<hbm>>
    tpu.wait_indirect_dma semaphore(%arg7 : memref<!tpu.dma_semaphore, #tpu.memory_space<semaphore_mem>>) src(%dma_wait3A_82 : memref<20000x128xf32, #tpu.memory_space<hbm>>) dst(%dma_wait3A_76 : memref<128x128xf32, #tpu.memory_space<vmem>>)
    %mul3A_83 = arith.constant 1024 : i32
    %mul3A_84 = arith.muli %add3A, %mul3A_83 : i32
    %add3A_85 = arith.constant 256 : i32
    %add3A_86 = arith.addi %mul3A_84, %add3A_85 : i32
    "tpu.region"() ({
      %run_scoped3A = tpu.sem_alloc : memref<!tpu.dma_semaphore, #tpu.memory_space<semaphore_mem>>
      %dma_start3A_175 = arith.constant 0 : i32
      %dma_start3A_176 = tpu.memref_slice %arg4[%add3A_86, %dma_start3A_175] : memref<32768x128xf32, #tpu.memory_space<hbm>> -> memref<256x128xf32, #tpu.memory_space<hbm>>
      %dma_start3A_177 = arith.constant 0 : i32
      %dma_start3A_178 = tpu.memref_slice %arg4[%add3A_86, %dma_start3A_177] : memref<32768x128xf32, #tpu.memory_space<hbm>> -> memref<256x128xf32, #tpu.memory_space<hbm>>
      tpu.enqueue_dma source(%arg6 : memref<256x128xf32, #tpu.memory_space<vmem>>) target(%dma_start3A_178 : memref<256x128xf32, #tpu.memory_space<hbm>>) target_semaphore(%run_scoped3A : memref<!tpu.dma_semaphore, #tpu.memory_space<semaphore_mem>>)
      %dma_wait3A_179 = arith.constant 0 : i32
      %dma_wait3A_180 = tpu.memref_slice %arg4[%add3A_86, %dma_wait3A_179] : memref<32768x128xf32, #tpu.memory_space<hbm>> -> memref<256x128xf32, #tpu.memory_space<hbm>>
      %dma_wait3A_181 = arith.constant 0 : i32
      %dma_wait3A_182 = tpu.memref_slice %arg4[%add3A_86, %dma_wait3A_181] : memref<32768x128xf32, #tpu.memory_space<hbm>> -> memref<256x128xf32, #tpu.memory_space<hbm>>
      tpu.wait_dma2 semaphore(%run_scoped3A : memref<!tpu.dma_semaphore, #tpu.memory_space<semaphore_mem>>) src(%arg6 : memref<256x128xf32, #tpu.memory_space<vmem>>) dst(%dma_wait3A_182 : memref<256x128xf32, #tpu.memory_space<hbm>>)
      tpu.yield
    }) : () -> ()
    %dma_start3A_87 = arith.constant 4 : i32
    %dma_start3A_88 = arith.constant 0 : i32
    %dma_start3A_89 = arith.constant 0 : i32
    %dma_start3A_90 = tpu.memref_slice %arg6[%dma_start3A_88, %dma_start3A_89] : memref<256x128xf32, #tpu.memory_space<vmem>> -> memref<128x128xf32, #tpu.memory_space<vmem>>
    %dma_start3A_91 = arith.constant 0 : i32
    %dma_start3A_92 = tpu.memref_slice %arg5[%dma_start3A_87, %dma_start3A_91] : memref<8x128xi32, #tpu.memory_space<vmem>> -> memref<1x128xi32, #tpu.memory_space<vmem>>
    %dma_start3A_93 = tpu.memref_squeeze %dma_start3A_92 : memref<1x128xi32, #tpu.memory_space<vmem>> -> memref<128xi32, #tpu.memory_space<vmem>>
    %dma_start3A_94 = arith.constant 0 : i32
    %dma_start3A_95 = arith.constant 0 : i32
    %dma_start3A_96 = tpu.memref_slice %arg2[%dma_start3A_94, %dma_start3A_95] : memref<20000x128xf32, #tpu.memory_space<hbm>> -> memref<20000x128xf32, #tpu.memory_space<hbm>>
    tpu.enqueue_indirect_dma source(%dma_start3A_96 : memref<20000x128xf32, #tpu.memory_space<hbm>>) target(%dma_start3A_90 : memref<128x128xf32, #tpu.memory_space<vmem>>) offsets(%dma_start3A_93 : memref<128xi32, #tpu.memory_space<vmem>>) semaphore(%arg7 : memref<!tpu.dma_semaphore, #tpu.memory_space<semaphore_mem>>)
    %dma_start3A_97 = arith.constant 5 : i32
    %dma_start3A_98 = arith.constant 128 : i32
    %dma_start3A_99 = arith.constant 0 : i32
    %dma_start3A_100 = tpu.memref_slice %arg6[%dma_start3A_98, %dma_start3A_99] : memref<256x128xf32, #tpu.memory_space<vmem>> -> memref<128x128xf32, #tpu.memory_space<vmem>>
    %dma_start3A_101 = arith.constant 0 : i32
    %dma_start3A_102 = tpu.memref_slice %arg5[%dma_start3A_97, %dma_start3A_101] : memref<8x128xi32, #tpu.memory_space<vmem>> -> memref<1x128xi32, #tpu.memory_space<vmem>>
    %dma_start3A_103 = tpu.memref_squeeze %dma_start3A_102 : memref<1x128xi32, #tpu.memory_space<vmem>> -> memref<128xi32, #tpu.memory_space<vmem>>
    %dma_start3A_104 = arith.constant 0 : i32
    %dma_start3A_105 = arith.constant 0 : i32
    %dma_start3A_106 = tpu.memref_slice %arg2[%dma_start3A_104, %dma_start3A_105] : memref<20000x128xf32, #tpu.memory_space<hbm>> -> memref<20000x128xf32, #tpu.memory_space<hbm>>
    tpu.enqueue_indirect_dma source(%dma_start3A_106 : memref<20000x128xf32, #tpu.memory_space<hbm>>) target(%dma_start3A_100 : memref<128x128xf32, #tpu.memory_space<vmem>>) offsets(%dma_start3A_103 : memref<128xi32, #tpu.memory_space<vmem>>) semaphore(%arg7 : memref<!tpu.dma_semaphore, #tpu.memory_space<semaphore_mem>>)
    %dma_wait3A_107 = arith.constant 4 : i32
    %dma_wait3A_108 = arith.constant 0 : i32
    %dma_wait3A_109 = arith.constant 0 : i32
    %dma_wait3A_110 = tpu.memref_slice %arg6[%dma_wait3A_108, %dma_wait3A_109] : memref<256x128xf32, #tpu.memory_space<vmem>> -> memref<128x128xf32, #tpu.memory_space<vmem>>
    %dma_wait3A_111 = arith.constant 0 : i32
    %dma_wait3A_112 = tpu.memref_slice %arg5[%dma_wait3A_107, %dma_wait3A_111] : memref<8x128xi32, #tpu.memory_space<vmem>> -> memref<1x128xi32, #tpu.memory_space<vmem>>
    %dma_wait3A_113 = tpu.memref_squeeze %dma_wait3A_112 : memref<1x128xi32, #tpu.memory_space<vmem>> -> memref<128xi32, #tpu.memory_space<vmem>>
    %dma_wait3A_114 = arith.constant 0 : i32
    %dma_wait3A_115 = arith.constant 0 : i32
    %dma_wait3A_116 = tpu.memref_slice %arg2[%dma_wait3A_114, %dma_wait3A_115] : memref<20000x128xf32, #tpu.memory_space<hbm>> -> memref<20000x128xf32, #tpu.memory_space<hbm>>
    tpu.wait_indirect_dma semaphore(%arg7 : memref<!tpu.dma_semaphore, #tpu.memory_space<semaphore_mem>>) src(%dma_wait3A_116 : memref<20000x128xf32, #tpu.memory_space<hbm>>) dst(%dma_wait3A_110 : memref<128x128xf32, #tpu.memory_space<vmem>>)
    %dma_wait3A_117 = arith.constant 5 : i32
    %dma_wait3A_118 = arith.constant 128 : i32
    %dma_wait3A_119 = arith.constant 0 : i32
    %dma_wait3A_120 = tpu.memref_slice %arg6[%dma_wait3A_118, %dma_wait3A_119] : memref<256x128xf32, #tpu.memory_space<vmem>> -> memref<128x128xf32, #tpu.memory_space<vmem>>
    %dma_wait3A_121 = arith.constant 0 : i32
    %dma_wait3A_122 = tpu.memref_slice %arg5[%dma_wait3A_117, %dma_wait3A_121] : memref<8x128xi32, #tpu.memory_space<vmem>> -> memref<1x128xi32, #tpu.memory_space<vmem>>
    %dma_wait3A_123 = tpu.memref_squeeze %dma_wait3A_122 : memref<1x128xi32, #tpu.memory_space<vmem>> -> memref<128xi32, #tpu.memory_space<vmem>>
    %dma_wait3A_124 = arith.constant 0 : i32
    %dma_wait3A_125 = arith.constant 0 : i32
    %dma_wait3A_126 = tpu.memref_slice %arg2[%dma_wait3A_124, %dma_wait3A_125] : memref<20000x128xf32, #tpu.memory_space<hbm>> -> memref<20000x128xf32, #tpu.memory_space<hbm>>
    tpu.wait_indirect_dma semaphore(%arg7 : memref<!tpu.dma_semaphore, #tpu.memory_space<semaphore_mem>>) src(%dma_wait3A_126 : memref<20000x128xf32, #tpu.memory_space<hbm>>) dst(%dma_wait3A_120 : memref<128x128xf32, #tpu.memory_space<vmem>>)
    %mul3A_127 = arith.constant 1024 : i32
    %mul3A_128 = arith.muli %add3A, %mul3A_127 : i32
    %add3A_129 = arith.constant 512 : i32
    %add3A_130 = arith.addi %mul3A_128, %add3A_129 : i32
    "tpu.region"() ({
      %run_scoped3A = tpu.sem_alloc : memref<!tpu.dma_semaphore, #tpu.memory_space<semaphore_mem>>
      %dma_start3A_175 = arith.constant 0 : i32
      %dma_start3A_176 = tpu.memref_slice %arg4[%add3A_130, %dma_start3A_175] : memref<32768x128xf32, #tpu.memory_space<hbm>> -> memref<256x128xf32, #tpu.memory_space<hbm>>
      %dma_start3A_177 = arith.constant 0 : i32
      %dma_start3A_178 = tpu.memref_slice %arg4[%add3A_130, %dma_start3A_177] : memref<32768x128xf32, #tpu.memory_space<hbm>> -> memref<256x128xf32, #tpu.memory_space<hbm>>
      tpu.enqueue_dma source(%arg6 : memref<256x128xf32, #tpu.memory_space<vmem>>) target(%dma_start3A_178 : memref<256x128xf32, #tpu.memory_space<hbm>>) target_semaphore(%run_scoped3A : memref<!tpu.dma_semaphore, #tpu.memory_space<semaphore_mem>>)
      %dma_wait3A_179 = arith.constant 0 : i32
      %dma_wait3A_180 = tpu.memref_slice %arg4[%add3A_130, %dma_wait3A_179] : memref<32768x128xf32, #tpu.memory_space<hbm>> -> memref<256x128xf32, #tpu.memory_space<hbm>>
      %dma_wait3A_181 = arith.constant 0 : i32
      %dma_wait3A_182 = tpu.memref_slice %arg4[%add3A_130, %dma_wait3A_181] : memref<32768x128xf32, #tpu.memory_space<hbm>> -> memref<256x128xf32, #tpu.memory_space<hbm>>
      tpu.wait_dma2 semaphore(%run_scoped3A : memref<!tpu.dma_semaphore, #tpu.memory_space<semaphore_mem>>) src(%arg6 : memref<256x128xf32, #tpu.memory_space<vmem>>) dst(%dma_wait3A_182 : memref<256x128xf32, #tpu.memory_space<hbm>>)
      tpu.yield
    }) : () -> ()
    %dma_start3A_131 = arith.constant 6 : i32
    %dma_start3A_132 = arith.constant 0 : i32
    %dma_start3A_133 = arith.constant 0 : i32
    %dma_start3A_134 = tpu.memref_slice %arg6[%dma_start3A_132, %dma_start3A_133] : memref<256x128xf32, #tpu.memory_space<vmem>> -> memref<128x128xf32, #tpu.memory_space<vmem>>
    %dma_start3A_135 = arith.constant 0 : i32
    %dma_start3A_136 = tpu.memref_slice %arg5[%dma_start3A_131, %dma_start3A_135] : memref<8x128xi32, #tpu.memory_space<vmem>> -> memref<1x128xi32, #tpu.memory_space<vmem>>
    %dma_start3A_137 = tpu.memref_squeeze %dma_start3A_136 : memref<1x128xi32, #tpu.memory_space<vmem>> -> memref<128xi32, #tpu.memory_space<vmem>>
    %dma_start3A_138 = arith.constant 0 : i32
    %dma_start3A_139 = arith.constant 0 : i32
    %dma_start3A_140 = tpu.memref_slice %arg2[%dma_start3A_138, %dma_start3A_139] : memref<20000x128xf32, #tpu.memory_space<hbm>> -> memref<20000x128xf32, #tpu.memory_space<hbm>>
    tpu.enqueue_indirect_dma source(%dma_start3A_140 : memref<20000x128xf32, #tpu.memory_space<hbm>>) target(%dma_start3A_134 : memref<128x128xf32, #tpu.memory_space<vmem>>) offsets(%dma_start3A_137 : memref<128xi32, #tpu.memory_space<vmem>>) semaphore(%arg7 : memref<!tpu.dma_semaphore, #tpu.memory_space<semaphore_mem>>)
    %dma_start3A_141 = arith.constant 7 : i32
    %dma_start3A_142 = arith.constant 128 : i32
    %dma_start3A_143 = arith.constant 0 : i32
    %dma_start3A_144 = tpu.memref_slice %arg6[%dma_start3A_142, %dma_start3A_143] : memref<256x128xf32, #tpu.memory_space<vmem>> -> memref<128x128xf32, #tpu.memory_space<vmem>>
    %dma_start3A_145 = arith.constant 0 : i32
    %dma_start3A_146 = tpu.memref_slice %arg5[%dma_start3A_141, %dma_start3A_145] : memref<8x128xi32, #tpu.memory_space<vmem>> -> memref<1x128xi32, #tpu.memory_space<vmem>>
    %dma_start3A_147 = tpu.memref_squeeze %dma_start3A_146 : memref<1x128xi32, #tpu.memory_space<vmem>> -> memref<128xi32, #tpu.memory_space<vmem>>
    %dma_start3A_148 = arith.constant 0 : i32
    %dma_start3A_149 = arith.constant 0 : i32
    %dma_start3A_150 = tpu.memref_slice %arg2[%dma_start3A_148, %dma_start3A_149] : memref<20000x128xf32, #tpu.memory_space<hbm>> -> memref<20000x128xf32, #tpu.memory_space<hbm>>
    tpu.enqueue_indirect_dma source(%dma_start3A_150 : memref<20000x128xf32, #tpu.memory_space<hbm>>) target(%dma_start3A_144 : memref<128x128xf32, #tpu.memory_space<vmem>>) offsets(%dma_start3A_147 : memref<128xi32, #tpu.memory_space<vmem>>) semaphore(%arg7 : memref<!tpu.dma_semaphore, #tpu.memory_space<semaphore_mem>>)
    %dma_wait3A_151 = arith.constant 6 : i32
    %dma_wait3A_152 = arith.constant 0 : i32
    %dma_wait3A_153 = arith.constant 0 : i32
    %dma_wait3A_154 = tpu.memref_slice %arg6[%dma_wait3A_152, %dma_wait3A_153] : memref<256x128xf32, #tpu.memory_space<vmem>> -> memref<128x128xf32, #tpu.memory_space<vmem>>
    %dma_wait3A_155 = arith.constant 0 : i32
    %dma_wait3A_156 = tpu.memref_slice %arg5[%dma_wait3A_151, %dma_wait3A_155] : memref<8x128xi32, #tpu.memory_space<vmem>> -> memref<1x128xi32, #tpu.memory_space<vmem>>
    %dma_wait3A_157 = tpu.memref_squeeze %dma_wait3A_156 : memref<1x128xi32, #tpu.memory_space<vmem>> -> memref<128xi32, #tpu.memory_space<vmem>>
    %dma_wait3A_158 = arith.constant 0 : i32
    %dma_wait3A_159 = arith.constant 0 : i32
    %dma_wait3A_160 = tpu.memref_slice %arg2[%dma_wait3A_158, %dma_wait3A_159] : memref<20000x128xf32, #tpu.memory_space<hbm>> -> memref<20000x128xf32, #tpu.memory_space<hbm>>
    tpu.wait_indirect_dma semaphore(%arg7 : memref<!tpu.dma_semaphore, #tpu.memory_space<semaphore_mem>>) src(%dma_wait3A_160 : memref<20000x128xf32, #tpu.memory_space<hbm>>) dst(%dma_wait3A_154 : memref<128x128xf32, #tpu.memory_space<vmem>>)
    %dma_wait3A_161 = arith.constant 7 : i32
    %dma_wait3A_162 = arith.constant 128 : i32
    %dma_wait3A_163 = arith.constant 0 : i32
    %dma_wait3A_164 = tpu.memref_slice %arg6[%dma_wait3A_162, %dma_wait3A_163] : memref<256x128xf32, #tpu.memory_space<vmem>> -> memref<128x128xf32, #tpu.memory_space<vmem>>
    %dma_wait3A_165 = arith.constant 0 : i32
    %dma_wait3A_166 = tpu.memref_slice %arg5[%dma_wait3A_161, %dma_wait3A_165] : memref<8x128xi32, #tpu.memory_space<vmem>> -> memref<1x128xi32, #tpu.memory_space<vmem>>
    %dma_wait3A_167 = tpu.memref_squeeze %dma_wait3A_166 : memref<1x128xi32, #tpu.memory_space<vmem>> -> memref<128xi32, #tpu.memory_space<vmem>>
    %dma_wait3A_168 = arith.constant 0 : i32
    %dma_wait3A_169 = arith.constant 0 : i32
    %dma_wait3A_170 = tpu.memref_slice %arg2[%dma_wait3A_168, %dma_wait3A_169] : memref<20000x128xf32, #tpu.memory_space<hbm>> -> memref<20000x128xf32, #tpu.memory_space<hbm>>
    tpu.wait_indirect_dma semaphore(%arg7 : memref<!tpu.dma_semaphore, #tpu.memory_space<semaphore_mem>>) src(%dma_wait3A_170 : memref<20000x128xf32, #tpu.memory_space<hbm>>) dst(%dma_wait3A_164 : memref<128x128xf32, #tpu.memory_space<vmem>>)
    %mul3A_171 = arith.constant 1024 : i32
    %mul3A_172 = arith.muli %add3A, %mul3A_171 : i32
    %add3A_173 = arith.constant 768 : i32
    %add3A_174 = arith.addi %mul3A_172, %add3A_173 : i32
    "tpu.region"() ({
      %run_scoped3A = tpu.sem_alloc : memref<!tpu.dma_semaphore, #tpu.memory_space<semaphore_mem>>
      %dma_start3A_175 = arith.constant 0 : i32
      %dma_start3A_176 = tpu.memref_slice %arg4[%add3A_174, %dma_start3A_175] : memref<32768x128xf32, #tpu.memory_space<hbm>> -> memref<256x128xf32, #tpu.memory_space<hbm>>
      %dma_start3A_177 = arith.constant 0 : i32
      %dma_start3A_178 = tpu.memref_slice %arg4[%add3A_174, %dma_start3A_177] : memref<32768x128xf32, #tpu.memory_space<hbm>> -> memref<256x128xf32, #tpu.memory_space<hbm>>
      tpu.enqueue_dma source(%arg6 : memref<256x128xf32, #tpu.memory_space<vmem>>) target(%dma_start3A_178 : memref<256x128xf32, #tpu.memory_space<hbm>>) target_semaphore(%run_scoped3A : memref<!tpu.dma_semaphore, #tpu.memory_space<semaphore_mem>>)
      %dma_wait3A_179 = arith.constant 0 : i32
      %dma_wait3A_180 = tpu.memref_slice %arg4[%add3A_174, %dma_wait3A_179] : memref<32768x128xf32, #tpu.memory_space<hbm>> -> memref<256x128xf32, #tpu.memory_space<hbm>>
      %dma_wait3A_181 = arith.constant 0 : i32
      %dma_wait3A_182 = tpu.memref_slice %arg4[%add3A_174, %dma_wait3A_181] : memref<32768x128xf32, #tpu.memory_space<hbm>> -> memref<256x128xf32, #tpu.memory_space<hbm>>
      tpu.wait_dma2 semaphore(%run_scoped3A : memref<!tpu.dma_semaphore, #tpu.memory_space<semaphore_mem>>) src(%arg6 : memref<256x128xf32, #tpu.memory_space<vmem>>) dst(%dma_wait3A_182 : memref<256x128xf32, #tpu.memory_space<hbm>>)
      tpu.yield
    }) : () -> ()
    return
  }
}

#map = affine_map<(d0, d1) -> (0, 0)>
#map1 = affine_map<(d0, d1) -> (0)>
module attributes {stable_mosaic.version = 14 : i64} {
  func.func @k(%arg0: i32, %arg1: i32, %arg2: memref<20000x128xf32, #tpu.memory_space<hbm>>, %arg3: memref<2048xi32, #tpu.memory_space<hbm>>, %arg4: memref<2048x128xf32, #tpu.memory_space<hbm>>, %arg5: memref<64xi32, #tpu.memory_space<vmem>>, %arg6: memref<64x128xf32, #tpu.memory_space<vmem>>, %arg7: memref<!tpu.dma_semaphore, #tpu.memory_space<semaphore_mem>>) attributes {dimension_semantics = [#tpu.dimension_semantics<core_parallel>, #tpu.dimension_semantics<subcore_parallel>], iteration_bounds = array<i64: 2, 16>, scalar_prefetch = 0 : i64, scratch_operands = 3 : i64, tpu.core_type = #tpu.core_type<sc_vector_subcore>, window_params = [{transform_indices = #map}, {transform_indices = #map1}, {transform_indices = #map}]} {
    %mul3A = arith.constant 2 : i32
    %mul3A_0 = arith.muli %arg1, %mul3A : i32
    %add3A = arith.addi %mul3A_0, %arg0 : i32
    %mul3A_1 = arith.constant 64 : i32
    %mul3A_2 = arith.muli %add3A, %mul3A_1 : i32
    "tpu.region"() ({
      %run_scoped3A = tpu.sem_alloc : memref<!tpu.dma_semaphore, #tpu.memory_space<semaphore_mem>>
      %dma_start3A_7 = tpu.memref_slice %arg3[%mul3A_2] : memref<2048xi32, #tpu.memory_space<hbm>> -> memref<64xi32, #tpu.memory_space<hbm>>
      %dma_start3A_8 = tpu.memref_slice %arg3[%mul3A_2] : memref<2048xi32, #tpu.memory_space<hbm>> -> memref<64xi32, #tpu.memory_space<hbm>>
      tpu.enqueue_dma source(%dma_start3A_8 : memref<64xi32, #tpu.memory_space<hbm>>) target(%arg5 : memref<64xi32, #tpu.memory_space<vmem>>) target_semaphore(%run_scoped3A : memref<!tpu.dma_semaphore, #tpu.memory_space<semaphore_mem>>)
      %dma_wait3A_9 = tpu.memref_slice %arg3[%mul3A_2] : memref<2048xi32, #tpu.memory_space<hbm>> -> memref<64xi32, #tpu.memory_space<hbm>>
      %dma_wait3A_10 = tpu.memref_slice %arg3[%mul3A_2] : memref<2048xi32, #tpu.memory_space<hbm>> -> memref<64xi32, #tpu.memory_space<hbm>>
      tpu.wait_dma2 semaphore(%run_scoped3A : memref<!tpu.dma_semaphore, #tpu.memory_space<semaphore_mem>>) src(%dma_wait3A_10 : memref<64xi32, #tpu.memory_space<hbm>>) dst(%arg5 : memref<64xi32, #tpu.memory_space<vmem>>)
      tpu.yield
    }) : () -> ()
    %dma_start3A = arith.constant 0 : i32
    %dma_start3A_3 = arith.constant 0 : i32
    %dma_start3A_4 = tpu.memref_slice %arg2[%dma_start3A, %dma_start3A_3] : memref<20000x128xf32, #tpu.memory_space<hbm>> -> memref<20000x128xf32, #tpu.memory_space<hbm>>
    tpu.enqueue_indirect_dma source(%dma_start3A_4 : memref<20000x128xf32, #tpu.memory_space<hbm>>) target(%arg6 : memref<64x128xf32, #tpu.memory_space<vmem>>) offsets(%arg5 : memref<64xi32, #tpu.memory_space<vmem>>) semaphore(%arg7 : memref<!tpu.dma_semaphore, #tpu.memory_space<semaphore_mem>>)
    %dma_wait3A = arith.constant 0 : i32
    %dma_wait3A_5 = arith.constant 0 : i32
    %dma_wait3A_6 = tpu.memref_slice %arg2[%dma_wait3A, %dma_wait3A_5] : memref<20000x128xf32, #tpu.memory_space<hbm>> -> memref<20000x128xf32, #tpu.memory_space<hbm>>
    tpu.wait_indirect_dma semaphore(%arg7 : memref<!tpu.dma_semaphore, #tpu.memory_space<semaphore_mem>>) src(%dma_wait3A_6 : memref<20000x128xf32, #tpu.memory_space<hbm>>) dst(%arg6 : memref<64x128xf32, #tpu.memory_space<vmem>>)
    "tpu.region"() ({
      %run_scoped3A = tpu.sem_alloc : memref<!tpu.dma_semaphore, #tpu.memory_space<semaphore_mem>>
      %dma_start3A_7 = arith.constant 0 : i32
      %dma_start3A_8 = tpu.memref_slice %arg4[%mul3A_2, %dma_start3A_7] : memref<2048x128xf32, #tpu.memory_space<hbm>> -> memref<64x128xf32, #tpu.memory_space<hbm>>
      %dma_start3A_9 = arith.constant 0 : i32
      %dma_start3A_10 = tpu.memref_slice %arg4[%mul3A_2, %dma_start3A_9] : memref<2048x128xf32, #tpu.memory_space<hbm>> -> memref<64x128xf32, #tpu.memory_space<hbm>>
      tpu.enqueue_dma source(%arg6 : memref<64x128xf32, #tpu.memory_space<vmem>>) target(%dma_start3A_10 : memref<64x128xf32, #tpu.memory_space<hbm>>) target_semaphore(%run_scoped3A : memref<!tpu.dma_semaphore, #tpu.memory_space<semaphore_mem>>)
      %dma_wait3A_11 = arith.constant 0 : i32
      %dma_wait3A_12 = tpu.memref_slice %arg4[%mul3A_2, %dma_wait3A_11] : memref<2048x128xf32, #tpu.memory_space<hbm>> -> memref<64x128xf32, #tpu.memory_space<hbm>>
      %dma_wait3A_13 = arith.constant 0 : i32
      %dma_wait3A_14 = tpu.memref_slice %arg4[%mul3A_2, %dma_wait3A_13] : memref<2048x128xf32, #tpu.memory_space<hbm>> -> memref<64x128xf32, #tpu.memory_space<hbm>>
      tpu.wait_dma2 semaphore(%run_scoped3A : memref<!tpu.dma_semaphore, #tpu.memory_space<semaphore_mem>>) src(%arg6 : memref<64x128xf32, #tpu.memory_space<vmem>>) dst(%dma_wait3A_14 : memref<64x128xf32, #tpu.memory_space<hbm>>)
      tpu.yield
    }) : () -> ()
    return
  }
}

module attributes {stable_mosaic.version = 14 : i64} {
  func.func @_fps_body(%arg0: memref<3x16x1280xf32, #tpu.memory_space<vmem>>, %arg1: memref<2x10000x3xf32, #tpu.memory_space<vmem>>, %arg2: memref<2x1024xi32, #tpu.memory_space<smem>>, %arg3: memref<2x1024x3xf32, #tpu.memory_space<vmem>>) attributes {dimension_semantics = [], scalar_prefetch = 0 : i64, scratch_operands = 0 : i64, tpu.core_type = #tpu.core_type<tc>} {
    %get3A = arith.constant 0 : index
    %get3A_0 = arith.constant 0 : index
    %get3A_1 = arith.constant 0 : index
    %get3A_2 = vector.load %arg0[%get3A, %get3A_0, %get3A_1] : memref<3x16x1280xf32, #tpu.memory_space<vmem>>, vector<1x16x1280xf32>
    %get3A_3 = vector.shape_cast %get3A_2 : vector<1x16x1280xf32> to vector<16x1280xf32>
    %get3A_4 = arith.constant 1 : index
    %get3A_5 = arith.constant 0 : index
    %get3A_6 = arith.constant 0 : index
    %get3A_7 = vector.load %arg0[%get3A_4, %get3A_5, %get3A_6] : memref<3x16x1280xf32, #tpu.memory_space<vmem>>, vector<1x16x1280xf32>
    %get3A_8 = vector.shape_cast %get3A_7 : vector<1x16x1280xf32> to vector<16x1280xf32>
    %get3A_9 = arith.constant 2 : index
    %get3A_10 = arith.constant 0 : index
    %get3A_11 = arith.constant 0 : index
    %get3A_12 = vector.load %arg0[%get3A_9, %get3A_10, %get3A_11] : memref<3x16x1280xf32, #tpu.memory_space<vmem>>, vector<1x16x1280xf32>
    %get3A_13 = vector.shape_cast %get3A_12 : vector<1x16x1280xf32> to vector<16x1280xf32>
    %iota3A = tpu.iota {dimensions = array<i32: 0>} : vector<8x1280xi32>
    %iota3A_14 = tpu.iota {dimensions = array<i32: 1>} : vector<8x1280xi32>
    %mul3A = arith.constant 1280 : i32
    %mul3A_15 = vector.broadcast %mul3A : i32 to vector<8x1280xi32>
    %mul3A_16 = arith.muli %iota3A, %mul3A_15 : vector<8x1280xi32>
    %add3A = arith.addi %mul3A_16, %iota3A_14 : vector<8x1280xi32>
    %lt3A = arith.constant 10000 : i32
    %lt3A_17 = vector.broadcast %lt3A : i32 to vector<8x1280xi32>
    %lt3A_18 = arith.cmpi slt, %add3A, %lt3A_17 : vector<8x1280xi32>
    %concatenate3A = tpu.concatenate %lt3A_18, %lt3A_18 in 0 : vector<8x1280xi1>, vector<8x1280xi1> -> vector<16x1280xi1>
    %jit3A = arith.constant 1.000000e+10 : f32
    %jit3A_19 = arith.constant -1.000000e+00 : f32
    %broadcast_in_dim3A = vector.broadcast %jit3A : f32 to vector<16x1280xf32>
    %broadcast_in_dim3A_20 = vector.broadcast %jit3A_19 : f32 to vector<16x1280xf32>
    %select_n3A = arith.select %concatenate3A, %broadcast_in_dim3A, %broadcast_in_dim3A_20 : vector<16x1280xi1>, vector<16x1280xf32>
    %swap3A = arith.constant 0 : i32
    %swap3A_21 = arith.constant 0 : index
    %swap3A_22 = arith.constant 0 : index
    %swap3A_23 = memref.load %arg2[%swap3A_21, %swap3A_22] : memref<2x1024xi32, #tpu.memory_space<smem>>
    memref.store %swap3A, %arg2[%swap3A_21, %swap3A_22] : memref<2x1024xi32, #tpu.memory_space<smem>>
    %swap3A_24 = arith.constant 0 : i32
    %swap3A_25 = arith.constant 1 : index
    %swap3A_26 = arith.constant 0 : index
    %swap3A_27 = memref.load %arg2[%swap3A_25, %swap3A_26] : memref<2x1024xi32, #tpu.memory_space<smem>>
    memref.store %swap3A_24, %arg2[%swap3A_25, %swap3A_26] : memref<2x1024xi32, #tpu.memory_space<smem>>
    %get3A_28 = arith.constant 0 : index
    %get3A_29 = arith.constant 0 : index
    %get3A_30 = arith.constant 0 : index
    %get3A_31 = vector.load %arg1[%get3A_28, %get3A_29, %get3A_30] : memref<2x10000x3xf32, #tpu.memory_space<vmem>>, vector<1x1x3xf32>
    %get3A_32 = vector.shape_cast %get3A_31 : vector<1x1x3xf32> to vector<1x3xf32>
    %get3A_33 = arith.constant 1 : index
    %get3A_34 = arith.constant 0 : index
    %get3A_35 = arith.constant 0 : index
    %get3A_36 = vector.load %arg1[%get3A_33, %get3A_34, %get3A_35] : memref<2x10000x3xf32, #tpu.memory_space<vmem>>, vector<1x1x3xf32>
    %get3A_37 = vector.shape_cast %get3A_36 : vector<1x1x3xf32> to vector<1x3xf32>
    %swap3A_38 = arith.constant 0 : index
    %swap3A_39 = arith.constant 0 : index
    %swap3A_40 = arith.constant 0 : index
    %swap3A_41 = vector.load %arg3[%swap3A_38, %swap3A_39, %swap3A_40] : memref<2x1024x3xf32, #tpu.memory_space<vmem>>, vector<1x1x3xf32>
    %swap3A_42 = vector.shape_cast %swap3A_41 : vector<1x1x3xf32> to vector<1x3xf32>
    %swap3A_43 = vector.shape_cast %get3A_32 : vector<1x3xf32> to vector<1x1x3xf32>
    tpu.vector_store %arg3[%swap3A_38, %swap3A_39, %swap3A_40], %swap3A_43 {strides = array<i32>} : memref<2x1024x3xf32, #tpu.memory_space<vmem>>, vector<1x1x3xf32>,
    %swap3A_44 = arith.constant 1 : index
    %swap3A_45 = arith.constant 0 : index
    %swap3A_46 = arith.constant 0 : index
    %swap3A_47 = vector.load %arg3[%swap3A_44, %swap3A_45, %swap3A_46] : memref<2x1024x3xf32, #tpu.memory_space<vmem>>, vector<1x1x3xf32>
    %swap3A_48 = vector.shape_cast %swap3A_47 : vector<1x1x3xf32> to vector<1x3xf32>
    %swap3A_49 = vector.shape_cast %get3A_37 : vector<1x3xf32> to vector<1x1x3xf32>
    tpu.vector_store %arg3[%swap3A_44, %swap3A_45, %swap3A_46], %swap3A_49 {strides = array<i32>} : memref<2x1024x3xf32, #tpu.memory_space<vmem>>, vector<1x1x3xf32>,
    %slice3A = vector.extract_strided_slice %get3A_32 {offsets = [0, 0], sizes = [1, 1], strides = [1, 1]} : vector<1x3xf32> to vector<1x1xf32>
    %slice3A_50 = vector.extract_strided_slice %get3A_37 {offsets = [0, 0], sizes = [1, 1], strides = [1, 1]} : vector<1x3xf32> to vector<1x1xf32>
    %broadcast_in_dim3A_51 = vector.shape_cast %slice3A : vector<1x1xf32> to vector<1x1xf32>
    %broadcast_in_dim3A_52 = vector.broadcast %broadcast_in_dim3A_51 : vector<1x1xf32> to vector<8x1xf32>
    %broadcast_in_dim3A_53 = vector.shape_cast %slice3A_50 : vector<1x1xf32> to vector<1x1xf32>
    %broadcast_in_dim3A_54 = vector.broadcast %broadcast_in_dim3A_53 : vector<1x1xf32> to vector<8x1xf32>
    %concatenate3A_55 = tpu.concatenate %broadcast_in_dim3A_52, %broadcast_in_dim3A_54 in 0 : vector<8x1xf32>, vector<8x1xf32> -> vector<16x1xf32>
    %slice3A_56 = vector.extract_strided_slice %get3A_32 {offsets = [0, 1], sizes = [1, 1], strides = [1, 1]} : vector<1x3xf32> to vector<1x1xf32>
    %slice3A_57 = vector.extract_strided_slice %get3A_37 {offsets = [0, 1], sizes = [1, 1], strides = [1, 1]} : vector<1x3xf32> to vector<1x1xf32>
    %broadcast_in_dim3A_58 = vector.shape_cast %slice3A_56 : vector<1x1xf32> to vector<1x1xf32>
    %broadcast_in_dim3A_59 = vector.broadcast %broadcast_in_dim3A_58 : vector<1x1xf32> to vector<8x1xf32>
    %broadcast_in_dim3A_60 = vector.shape_cast %slice3A_57 : vector<1x1xf32> to vector<1x1xf32>
    %broadcast_in_dim3A_61 = vector.broadcast %broadcast_in_dim3A_60 : vector<1x1xf32> to vector<8x1xf32>
    %concatenate3A_62 = tpu.concatenate %broadcast_in_dim3A_59, %broadcast_in_dim3A_61 in 0 : vector<8x1xf32>, vector<8x1xf32> -> vector<16x1xf32>
    %slice3A_63 = vector.extract_strided_slice %get3A_32 {offsets = [0, 2], sizes = [1, 1], strides = [1, 1]} : vector<1x3xf32> to vector<1x1xf32>
    %slice3A_64 = vector.extract_strided_slice %get3A_37 {offsets = [0, 2], sizes = [1, 1], strides = [1, 1]} : vector<1x3xf32> to vector<1x1xf32>
    %broadcast_in_dim3A_65 = vector.shape_cast %slice3A_63 : vector<1x1xf32> to vector<1x1xf32>
    %broadcast_in_dim3A_66 = vector.broadcast %broadcast_in_dim3A_65 : vector<1x1xf32> to vector<8x1xf32>
    %broadcast_in_dim3A_67 = vector.shape_cast %slice3A_64 : vector<1x1xf32> to vector<1x1xf32>
    %broadcast_in_dim3A_68 = vector.broadcast %broadcast_in_dim3A_67 : vector<1x1xf32> to vector<8x1xf32>
    %concatenate3A_69 = tpu.concatenate %broadcast_in_dim3A_66, %broadcast_in_dim3A_68 in 0 : vector<8x1xf32>, vector<8x1xf32> -> vector<16x1xf32>
    %scan3A = arith.constant 0 : i32
    %scan3A_70 = arith.constant 1023 : i32
    %scan3A_71 = arith.addi %scan3A, %scan3A_70 : i32
    %scan3A_72 = arith.constant 1 : i32
    %scan3A_73:4 = scf.for %scan3A_75 = %scan3A to %scan3A_71 step %scan3A_72 iter_args(%scan3A_76 = %select_n3A, %scan3A_77 = %concatenate3A_55, %scan3A_78 = %concatenate3A_62, %scan3A_79 = %concatenate3A_69) -> (vector<16x1280xf32>, vector<16x1xf32>, vector<16x1xf32>, vector<16x1xf32>)  : i32 {
      %sub3A = vector.broadcast %scan3A_77 : vector<16x1xf32> to vector<16x1280xf32>
      %sub3A_80 = arith.subf %get3A_3, %sub3A : vector<16x1280xf32>
      %sub3A_81 = vector.broadcast %scan3A_78 : vector<16x1xf32> to vector<16x1280xf32>
      %sub3A_82 = arith.subf %get3A_8, %sub3A_81 : vector<16x1280xf32>
      %sub3A_83 = vector.broadcast %scan3A_79 : vector<16x1xf32> to vector<16x1280xf32>
      %sub3A_84 = arith.subf %get3A_13, %sub3A_83 : vector<16x1280xf32>
      %mul3A_85 = arith.mulf %sub3A_80, %sub3A_80 : vector<16x1280xf32>
      %mul3A_86 = arith.mulf %sub3A_82, %sub3A_82 : vector<16x1280xf32>
      %add3A_87 = arith.addf %mul3A_85, %mul3A_86 : vector<16x1280xf32>
      %mul3A_88 = arith.mulf %sub3A_84, %sub3A_84 : vector<16x1280xf32>
      %add3A_89 = arith.addf %add3A_87, %mul3A_88 : vector<16x1280xf32>
      %min3A = arith.minimumf %scan3A_76, %add3A_89 : vector<16x1280xf32>
      %slice3A_90 = vector.extract_strided_slice %min3A {offsets = [0, 0], sizes = [8, 1280], strides = [1, 1]} : vector<16x1280xf32> to vector<8x1280xf32>
      %slice3A_91 = vector.extract_strided_slice %min3A {offsets = [8, 0], sizes = [8, 1280], strides = [1, 1]} : vector<16x1280xf32> to vector<8x1280xf32>
      %reduce_max3A = arith.constant dense<0xFF800000> : vector<8xf32>
      %reduce_max3A_92 = vector.multi_reduction <maximumf>, %slice3A_90, %reduce_max3A [1] : vector<8x1280xf32> to vector<8xf32>
      %broadcast_in_dim3A_93 = vector.shape_cast %reduce_max3A_92 : vector<8xf32> to vector<8x1xf32>
      %reduce_max3A_94 = arith.constant dense<0xFF800000> : vector<1xf32>
      %reduce_max3A_95 = vector.multi_reduction <maximumf>, %broadcast_in_dim3A_93, %reduce_max3A_94 [0] : vector<8x1xf32> to vector<1xf32>
      %broadcast_in_dim3A_96 = vector.shape_cast %reduce_max3A_95 : vector<1xf32> to vector<1x1xf32>
      %reduce_max3A_97 = arith.constant dense<0xFF800000> : vector<8xf32>
      %reduce_max3A_98 = vector.multi_reduction <maximumf>, %slice3A_91, %reduce_max3A_97 [1] : vector<8x1280xf32> to vector<8xf32>
      %broadcast_in_dim3A_99 = vector.shape_cast %reduce_max3A_98 : vector<8xf32> to vector<8x1xf32>
      %reduce_max3A_100 = arith.constant dense<0xFF800000> : vector<1xf32>
      %reduce_max3A_101 = vector.multi_reduction <maximumf>, %broadcast_in_dim3A_99, %reduce_max3A_100 [0] : vector<8x1xf32> to vector<1xf32>
      %broadcast_in_dim3A_102 = vector.shape_cast %reduce_max3A_101 : vector<1xf32> to vector<1x1xf32>
      %eq3A = vector.broadcast %broadcast_in_dim3A_96 : vector<1x1xf32> to vector<8x1280xf32>
      %eq3A_103 = arith.cmpf oeq, %slice3A_90, %eq3A : vector<8x1280xf32>
      %jit3A_104 = arith.constant 1073741824 : i32
      %broadcast_in_dim3A_105 = vector.broadcast %jit3A_104 : i32 to vector<8x1280xi32>
      %select_n3A_106 = arith.select %eq3A_103, %add3A, %broadcast_in_dim3A_105 : vector<8x1280xi1>, vector<8x1280xi32>
      %reduce_min3A = arith.constant dense<2147483647> : vector<8xi32>
      %reduce_min3A_107 = vector.multi_reduction <minsi>, %select_n3A_106, %reduce_min3A [1] : vector<8x1280xi32> to vector<8xi32>
      %broadcast_in_dim3A_108 = vector.shape_cast %reduce_min3A_107 : vector<8xi32> to vector<8x1xi32>
      %reduce_min3A_109 = arith.constant dense<2147483647> : vector<1xi32>
      %reduce_min3A_110 = vector.multi_reduction <minsi>, %broadcast_in_dim3A_108, %reduce_min3A_109 [0] : vector<8x1xi32> to vector<1xi32>
      %broadcast_in_dim3A_111 = vector.shape_cast %reduce_min3A_110 : vector<1xi32> to vector<1x1xi32>
      %eq3A_112 = vector.broadcast %broadcast_in_dim3A_102 : vector<1x1xf32> to vector<8x1280xf32>
      %eq3A_113 = arith.cmpf oeq, %slice3A_91, %eq3A_112 : vector<8x1280xf32>
      %jit3A_114 = arith.constant 1073741824 : i32
      %broadcast_in_dim3A_115 = vector.broadcast %jit3A_114 : i32 to vector<8x1280xi32>
      %select_n3A_116 = arith.select %eq3A_113, %add3A, %broadcast_in_dim3A_115 : vector<8x1280xi1>, vector<8x1280xi32>
      %reduce_min3A_117 = arith.constant dense<2147483647> : vector<8xi32>
      %reduce_min3A_118 = vector.multi_reduction <minsi>, %select_n3A_116, %reduce_min3A_117 [1] : vector<8x1280xi32> to vector<8xi32>
      %broadcast_in_dim3A_119 = vector.shape_cast %reduce_min3A_118 : vector<8xi32> to vector<8x1xi32>
      %reduce_min3A_120 = arith.constant dense<2147483647> : vector<1xi32>
      %reduce_min3A_121 = vector.multi_reduction <minsi>, %broadcast_in_dim3A_119, %reduce_min3A_120 [0] : vector<8x1xi32> to vector<1xi32>
      %broadcast_in_dim3A_122 = vector.shape_cast %reduce_min3A_121 : vector<1xi32> to vector<1x1xi32>
      %squeeze3A = vector.extract %broadcast_in_dim3A_111[0, 0] : i32 from vector<1x1xi32>
      %get3A_123 = arith.constant 0 : index
      %get3A_124 = arith.index_cast %squeeze3A : i32 to index
      %get3A_125 = arith.constant 0 : index
      %get3A_126 = vector.load %arg1[%get3A_123, %get3A_124, %get3A_125] : memref<2x10000x3xf32, #tpu.memory_space<vmem>>, vector<1x1x3xf32>
      %get3A_127 = vector.shape_cast %get3A_126 : vector<1x1x3xf32> to vector<1x3xf32>
      %add3A_128 = arith.constant 1 : i32
      %add3A_129 = arith.addi %scan3A_75, %add3A_128 : i32
      %swap3A_130 = arith.constant 0 : index
      %swap3A_131 = arith.index_cast %add3A_129 : i32 to index
      %swap3A_132 = memref.load %arg2[%swap3A_130, %swap3A_131] : memref<2x1024xi32, #tpu.memory_space<smem>>
      memref.store %squeeze3A, %arg2[%swap3A_130, %swap3A_131] : memref<2x1024xi32, #tpu.memory_space<smem>>
      %add3A_133 = arith.constant 1 : i32
      %add3A_134 = arith.addi %scan3A_75, %add3A_133 : i32
      %swap3A_135 = arith.constant 0 : index
      %swap3A_136 = arith.index_cast %add3A_134 : i32 to index
      %swap3A_137 = arith.constant 0 : index
      %swap3A_138 = vector.load %arg3[%swap3A_135, %swap3A_136, %swap3A_137] : memref<2x1024x3xf32, #tpu.memory_space<vmem>>, vector<1x1x3xf32>
      %swap3A_139 = vector.shape_cast %swap3A_138 : vector<1x1x3xf32> to vector<1x3xf32>
      %swap3A_140 = vector.shape_cast %get3A_127 : vector<1x3xf32> to vector<1x1x3xf32>
      tpu.vector_store %arg3[%swap3A_135, %swap3A_136, %swap3A_137], %swap3A_140 {strides = array<i32>} : memref<2x1024x3xf32, #tpu.memory_space<vmem>>, vector<1x1x3xf32>,
      %squeeze3A_141 = vector.extract %broadcast_in_dim3A_122[0, 0] : i32 from vector<1x1xi32>
      %get3A_142 = arith.constant 1 : index
      %get3A_143 = arith.index_cast %squeeze3A_141 : i32 to index
      %get3A_144 = arith.constant 0 : index
      %get3A_145 = vector.load %arg1[%get3A_142, %get3A_143, %get3A_144] : memref<2x10000x3xf32, #tpu.memory_space<vmem>>, vector<1x1x3xf32>
      %get3A_146 = vector.shape_cast %get3A_145 : vector<1x1x3xf32> to vector<1x3xf32>
      %add3A_147 = arith.constant 1 : i32
      %add3A_148 = arith.addi %scan3A_75, %add3A_147 : i32
      %swap3A_149 = arith.constant 1 : index
      %swap3A_150 = arith.index_cast %add3A_148 : i32 to index
      %swap3A_151 = memref.load %arg2[%swap3A_149, %swap3A_150] : memref<2x1024xi32, #tpu.memory_space<smem>>
      memref.store %squeeze3A_141, %arg2[%swap3A_149, %swap3A_150] : memref<2x1024xi32, #tpu.memory_space<smem>>
      %add3A_152 = arith.constant 1 : i32
      %add3A_153 = arith.addi %scan3A_75, %add3A_152 : i32
      %swap3A_154 = arith.constant 1 : index
      %swap3A_155 = arith.index_cast %add3A_153 : i32 to index
      %swap3A_156 = arith.constant 0 : index
      %swap3A_157 = vector.load %arg3[%swap3A_154, %swap3A_155, %swap3A_156] : memref<2x1024x3xf32, #tpu.memory_space<vmem>>, vector<1x1x3xf32>
      %swap3A_158 = vector.shape_cast %swap3A_157 : vector<1x1x3xf32> to vector<1x3xf32>
      %swap3A_159 = vector.shape_cast %get3A_146 : vector<1x3xf32> to vector<1x1x3xf32>
      tpu.vector_store %arg3[%swap3A_154, %swap3A_155, %swap3A_156], %swap3A_159 {strides = array<i32>} : memref<2x1024x3xf32, #tpu.memory_space<vmem>>, vector<1x1x3xf32>,
      %slice3A_160 = vector.extract_strided_slice %get3A_127 {offsets = [0, 0], sizes = [1, 1], strides = [1, 1]} : vector<1x3xf32> to vector<1x1xf32>
      %slice3A_161 = vector.extract_strided_slice %get3A_146 {offsets = [0, 0], sizes = [1, 1], strides = [1, 1]} : vector<1x3xf32> to vector<1x1xf32>
      %broadcast_in_dim3A_162 = vector.shape_cast %slice3A_160 : vector<1x1xf32> to vector<1x1xf32>
      %broadcast_in_dim3A_163 = vector.broadcast %broadcast_in_dim3A_162 : vector<1x1xf32> to vector<8x1xf32>
      %broadcast_in_dim3A_164 = vector.shape_cast %slice3A_161 : vector<1x1xf32> to vector<1x1xf32>
      %broadcast_in_dim3A_165 = vector.broadcast %broadcast_in_dim3A_164 : vector<1x1xf32> to vector<8x1xf32>
      %concatenate3A_166 = tpu.concatenate %broadcast_in_dim3A_163, %broadcast_in_dim3A_165 in 0 : vector<8x1xf32>, vector<8x1xf32> -> vector<16x1xf32>
      %slice3A_167 = vector.extract_strided_slice %get3A_127 {offsets = [0, 1], sizes = [1, 1], strides = [1, 1]} : vector<1x3xf32> to vector<1x1xf32>
      %slice3A_168 = vector.extract_strided_slice %get3A_146 {offsets = [0, 1], sizes = [1, 1], strides = [1, 1]} : vector<1x3xf32> to vector<1x1xf32>
      %broadcast_in_dim3A_169 = vector.shape_cast %slice3A_167 : vector<1x1xf32> to vector<1x1xf32>
      %broadcast_in_dim3A_170 = vector.broadcast %broadcast_in_dim3A_169 : vector<1x1xf32> to vector<8x1xf32>
      %broadcast_in_dim3A_171 = vector.shape_cast %slice3A_168 : vector<1x1xf32> to vector<1x1xf32>
      %broadcast_in_dim3A_172 = vector.broadcast %broadcast_in_dim3A_171 : vector<1x1xf32> to vector<8x1xf32>
      %concatenate3A_173 = tpu.concatenate %broadcast_in_dim3A_170, %broadcast_in_dim3A_172 in 0 : vector<8x1xf32>, vector<8x1xf32> -> vector<16x1xf32>
      %slice3A_174 = vector.extract_strided_slice %get3A_127 {offsets = [0, 2], sizes = [1, 1], strides = [1, 1]} : vector<1x3xf32> to vector<1x1xf32>
      %slice3A_175 = vector.extract_strided_slice %get3A_146 {offsets = [0, 2], sizes = [1, 1], strides = [1, 1]} : vector<1x3xf32> to vector<1x1xf32>
      %broadcast_in_dim3A_176 = vector.shape_cast %slice3A_174 : vector<1x1xf32> to vector<1x1xf32>
      %broadcast_in_dim3A_177 = vector.broadcast %broadcast_in_dim3A_176 : vector<1x1xf32> to vector<8x1xf32>
      %broadcast_in_dim3A_178 = vector.shape_cast %slice3A_175 : vector<1x1xf32> to vector<1x1xf32>
      %broadcast_in_dim3A_179 = vector.broadcast %broadcast_in_dim3A_178 : vector<1x1xf32> to vector<8x1xf32>
      %concatenate3A_180 = tpu.concatenate %broadcast_in_dim3A_177, %broadcast_in_dim3A_179 in 0 : vector<8x1xf32>, vector<8x1xf32> -> vector<16x1xf32>
      scf.yield %min3A, %concatenate3A_166, %concatenate3A_173, %concatenate3A_180 : vector<16x1280xf32>, vector<16x1xf32>, vector<16x1xf32>, vector<16x1xf32>
    }
    %scan3A_74 = arith.constant 1023 : i32
    return
  }
}

module attributes {stable_mosaic.version = 14 : i64} {
  func.func @_pre0_body(%arg0: i32, %arg1: memref<1x128x10000xf32, #tpu.memory_space<vmem>>, %arg2: memref<128x128xf32, #tpu.memory_space<vmem>>, %arg3: memref<1x10000x128xf32, #tpu.memory_space<vmem>>, %arg4: memref<1x10000x128xf32, #tpu.memory_space<vmem>>, %arg5: memref<1x1x10000xf32, #tpu.memory_space<vmem>>) attributes {dimension_semantics = [#tpu.dimension_semantics<arbitrary>], iteration_bounds = array<i64: 2>, scalar_prefetch = 0 : i64, scratch_operands = 0 : i64, tpu.core_type = #tpu.core_type<tc>, window_params = [{transform_indices = @transform_0, window_bounds = array<i64: 1, 128, 10000>}, {pipeline_mode = #tpu.pipeline_mode<synchronous>, transform_indices = @transform_1, window_bounds = array<i64: 128, 128>}, {transform_indices = @transform_2, window_bounds = array<i64: 1, 10000, 128>}, {transform_indices = @transform_3, window_bounds = array<i64: 1, 10000, 128>}, {transform_indices = @transform_4, window_bounds = array<i64: 1, 1, 10000>}]} {
    %get3A = arith.constant 0 : index
    %get3A_0 = arith.constant 0 : index
    %get3A_1 = arith.constant 0 : index
    %get3A_2 = vector.load %arg1[%get3A, %get3A_0, %get3A_1] : memref<1x128x10000xf32, #tpu.memory_space<vmem>>, vector<1x128x10000xf32>
    %get3A_3 = vector.shape_cast %get3A_2 : vector<1x128x10000xf32> to vector<128x10000xf32>
    %mul3A = arith.mulf %get3A_3, %get3A_3 : vector<128x10000xf32>
    %reduce_sum3A = arith.constant dense<0.000000e+00> : vector<10000xf32>
    %reduce_sum3A_4 = vector.multi_reduction <add>, %mul3A, %reduce_sum3A [0] : vector<128x10000xf32> to vector<10000xf32>
    %broadcast_in_dim3A = vector.shape_cast %reduce_sum3A_4 : vector<10000xf32> to vector<1x10000xf32>
    %swap3A = arith.constant 0 : index
    %swap3A_5 = arith.constant 0 : index
    %swap3A_6 = arith.constant 0 : index
    %swap3A_7 = vector.load %arg5[%swap3A, %swap3A_5, %swap3A_6] : memref<1x1x10000xf32, #tpu.memory_space<vmem>>, vector<1x1x10000xf32>
    %swap3A_8 = vector.shape_cast %swap3A_7 : vector<1x1x10000xf32> to vector<1x10000xf32>
    %swap3A_9 = vector.shape_cast %broadcast_in_dim3A : vector<1x10000xf32> to vector<1x1x10000xf32>
    tpu.vector_store %arg5[%swap3A, %swap3A_5, %swap3A_6], %swap3A_9 {strides = array<i32>} : memref<1x1x10000xf32, #tpu.memory_space<vmem>>, vector<1x1x10000xf32>,
    %transpose3A = tpu.transpose %get3A_3, [1, 0] : vector<128x10000xf32> -> vector<10000x128xf32>
    %swap3A_10 = arith.constant 0 : index
    %swap3A_11 = arith.constant 0 : index
    %swap3A_12 = arith.constant 0 : index
    %swap3A_13 = vector.load %arg3[%swap3A_10, %swap3A_11, %swap3A_12] : memref<1x10000x128xf32, #tpu.memory_space<vmem>>, vector<1x10000x128xf32>
    %swap3A_14 = vector.shape_cast %swap3A_13 : vector<1x10000x128xf32> to vector<10000x128xf32>
    %swap3A_15 = vector.shape_cast %transpose3A : vector<10000x128xf32> to vector<1x10000x128xf32>
    tpu.vector_store %arg3[%swap3A_10, %swap3A_11, %swap3A_12], %swap3A_15 {strides = array<i32>} : memref<1x10000x128xf32, #tpu.memory_space<vmem>>, vector<1x10000x128xf32>,
    %get3A_16 = arith.constant 0 : index
    %get3A_17 = arith.constant 0 : index
    %get3A_18 = vector.load %arg2[%get3A_16, %get3A_17] : memref<128x128xf32, #tpu.memory_space<vmem>>, vector<128x128xf32>
    %dot_general3A = arith.constant dense<0.000000e+00> : vector<10000x128xf32>
    %dot_general3A_19 = tpu.matmul %transpose3A, %get3A_18, %dot_general3A {dimension_numbers = #tpu.dot_dimension_numbers<[1], [0], [0], [1], [0, 0, 1, 1], [], []>, precision = #tpu.contract_precision<fp32>, transpose_lhs_hint = false} : vector<10000x128xf32>, vector<128x128xf32>, vector<10000x128xf32> -> vector<10000x128xf32>
    %swap3A_20 = arith.constant 0 : index
    %swap3A_21 = arith.constant 0 : index
    %swap3A_22 = arith.constant 0 : index
    %swap3A_23 = vector.load %arg4[%swap3A_20, %swap3A_21, %swap3A_22] : memref<1x10000x128xf32, #tpu.memory_space<vmem>>, vector<1x10000x128xf32>
    %swap3A_24 = vector.shape_cast %swap3A_23 : vector<1x10000x128xf32> to vector<10000x128xf32>
    %swap3A_25 = vector.shape_cast %dot_general3A_19 : vector<10000x128xf32> to vector<1x10000x128xf32>
    tpu.vector_store %arg4[%swap3A_20, %swap3A_21, %swap3A_22], %swap3A_25 {strides = array<i32>} : memref<1x10000x128xf32, #tpu.memory_space<vmem>>, vector<1x10000x128xf32>,
    return
  }
  func.func @transform_0(%arg0: i32) -> (i32, i32, i32) {
    %c0_i32 = arith.constant 0 : i32
    %c0_i32_0 = arith.constant 0 : i32
    %c0_i32_1 = arith.constant 0 : i32
    return %arg0, %c0_i32, %c0_i32_0 : i32, i32, i32
  }
  func.func @transform_1(%arg0: i32) -> (i32, i32) {
    %c0_i32 = arith.constant 0 : i32
    %c0_i32_0 = arith.constant 0 : i32
    %c0_i32_1 = arith.constant 0 : i32
    return %c0_i32, %c0_i32_0 : i32, i32
  }
  func.func @transform_2(%arg0: i32) -> (i32, i32, i32) {
    %c0_i32 = arith.constant 0 : i32
    %c0_i32_0 = arith.constant 0 : i32
    %c0_i32_1 = arith.constant 0 : i32
    return %arg0, %c0_i32, %c0_i32_0 : i32, i32, i32
  }
  func.func @transform_3(%arg0: i32) -> (i32, i32, i32) {
    %c0_i32 = arith.constant 0 : i32
    %c0_i32_0 = arith.constant 0 : i32
    %c0_i32_1 = arith.constant 0 : i32
    return %arg0, %c0_i32, %c0_i32_0 : i32, i32, i32
  }
  func.func @transform_4(%arg0: i32) -> (i32, i32, i32) {
    %c0_i32 = arith.constant 0 : i32
    %c0_i32_0 = arith.constant 0 : i32
    %c0_i32_1 = arith.constant 0 : i32
    return %arg0, %c0_i32, %c0_i32_0 : i32, i32, i32
  }
}

module attributes {stable_mosaic.version = 14 : i64} {
  func.func @_select_body(%arg0: i32, %arg1: i32, %arg2: memref<1x128x128xf32, #tpu.memory_space<vmem>>, %arg3: memref<1x128x10000xf32, #tpu.memory_space<vmem>>, %arg4: memref<1x1x10000xf32, #tpu.memory_space<vmem>>, %arg5: memref<1x1x128xi32, #tpu.memory_space<vmem>>, %arg6: memref<1x128x16xi32, #tpu.memory_space<vmem>>) attributes {dimension_semantics = [#tpu.dimension_semantics<arbitrary>, #tpu.dimension_semantics<arbitrary>], iteration_bounds = array<i64: 2, 8>, scalar_prefetch = 0 : i64, scratch_operands = 0 : i64, tpu.core_type = #tpu.core_type<tc>, window_params = [{transform_indices = @transform_0, window_bounds = array<i64: 1, 128, 128>}, {transform_indices = @transform_1, window_bounds = array<i64: 1, 128, 10000>}, {transform_indices = @transform_2, window_bounds = array<i64: 1, 1, 10000>}, {transform_indices = @transform_3, window_bounds = array<i64: 1, 1, 128>}, {transform_indices = @transform_4, window_bounds = array<i64: 1, 128, 16>}]} {
    %get3A = arith.constant 0 : index
    %get3A_0 = arith.constant 0 : index
    %get3A_1 = arith.constant 0 : index
    %get3A_2 = vector.load %arg2[%get3A, %get3A_0, %get3A_1] : memref<1x128x128xf32, #tpu.memory_space<vmem>>, vector<1x128x128xf32>
    %get3A_3 = vector.shape_cast %get3A_2 : vector<1x128x128xf32> to vector<128x128xf32>
    %get3A_4 = arith.constant 0 : index
    %get3A_5 = arith.constant 0 : index
    %get3A_6 = arith.constant 0 : index
    %get3A_7 = vector.load %arg3[%get3A_4, %get3A_5, %get3A_6] : memref<1x128x10000xf32, #tpu.memory_space<vmem>>, vector<1x128x10000xf32>
    %get3A_8 = vector.shape_cast %get3A_7 : vector<1x128x10000xf32> to vector<128x10000xf32>
    %get3A_9 = arith.constant 0 : index
    %get3A_10 = arith.constant 0 : index
    %get3A_11 = arith.constant 0 : index
    %get3A_12 = vector.load %arg4[%get3A_9, %get3A_10, %get3A_11] : memref<1x1x10000xf32, #tpu.memory_space<vmem>>, vector<1x1x10000xf32>
    %get3A_13 = vector.shape_cast %get3A_12 : vector<1x1x10000xf32> to vector<10000xf32>
    %convert_element_type3A = arith.truncf %get3A_3 : vector<128x128xf32> to vector<128x128xbf16>
    %convert_element_type3A_14 = arith.truncf %get3A_8 : vector<128x10000xf32> to vector<128x10000xbf16>
    %dot_general3A = arith.constant dense<0.000000e+00> : vector<128x10000xf32>
    %dot_general3A_15 = tpu.matmul %convert_element_type3A, %convert_element_type3A_14, %dot_general3A {dimension_numbers = #tpu.dot_dimension_numbers<[1], [0], [0], [1], [0, 0, 1, 1], [], []>, transpose_lhs_hint = false} : vector<128x128xbf16>, vector<128x10000xbf16>, vector<128x10000xf32> -> vector<128x10000xf32>
    %mul3A = arith.mulf %get3A_3, %get3A_3 : vector<128x128xf32>
    %reduce_sum3A = arith.constant dense<0.000000e+00> : vector<128xf32>
    %reduce_sum3A_16 = vector.multi_reduction <add>, %mul3A, %reduce_sum3A [1] : vector<128x128xf32> to vector<128xf32>
    %broadcast_in_dim3A = vector.shape_cast %reduce_sum3A_16 : vector<128xf32> to vector<128x1xf32>
    %mul3A_17 = arith.constant 2.000000e+00 : f32
    %mul3A_18 = vector.broadcast %mul3A_17 : f32 to vector<128x10000xf32>
    %mul3A_19 = arith.mulf %mul3A_18, %dot_general3A_15 : vector<128x10000xf32>
    %sub3A = vector.broadcast %broadcast_in_dim3A : vector<128x1xf32> to vector<128x10000xf32>
    %sub3A_20 = arith.subf %sub3A, %mul3A_19 : vector<128x10000xf32>
    %broadcast_in_dim3A_21 = vector.shape_cast %get3A_13 : vector<10000xf32> to vector<1x10000xf32>
    %add3A = vector.broadcast %broadcast_in_dim3A_21 : vector<1x10000xf32> to vector<128x10000xf32>
    %add3A_22 = arith.addf %sub3A_20, %add3A : vector<128x10000xf32>
    %iota3A = tpu.iota {dimensions = array<i32: 1>} : vector<128x10000xi32>
    %convert_element_type3A_23 = arith.sitofp %iota3A : vector<128x10000xi32> to vector<128x10000xf32>
    %get3A_24 = arith.constant 0 : index
    %get3A_25 = arith.constant 0 : index
    %get3A_26 = arith.constant 0 : index
    %get3A_27 = vector.load %arg5[%get3A_24, %get3A_25, %get3A_26] : memref<1x1x128xi32, #tpu.memory_space<vmem>>, vector<1x1x128xi32>
    %get3A_28 = vector.shape_cast %get3A_27 : vector<1x1x128xi32> to vector<128xi32>
    %broadcast_in_dim3A_29 = vector.shape_cast %get3A_28 : vector<128xi32> to vector<128x1xi32>
    %eq3A = vector.broadcast %broadcast_in_dim3A_29 : vector<128x1xi32> to vector<128x10000xi32>
    %eq3A_30 = arith.cmpi eq, %iota3A, %eq3A : vector<128x10000xi32>
    %jit3A = arith.constant 1.000000e+10 : f32
    %broadcast_in_dim3A_31 = vector.broadcast %jit3A : f32 to vector<128x10000xf32>
    %select_n3A = arith.select %eq3A_30, %broadcast_in_dim3A_31, %add3A_22 : vector<128x10000xi1>, vector<128x10000xf32>
    %reduce_min3A = arith.constant dense<0x7F800000> : vector<128xf32>
    %reduce_min3A_32 = vector.multi_reduction <minimumf>, %select_n3A, %reduce_min3A [1] : vector<128x10000xf32> to vector<128xf32>
    %broadcast_in_dim3A_33 = vector.shape_cast %reduce_min3A_32 : vector<128xf32> to vector<128x1xf32>
    %sub3A_34 = vector.broadcast %broadcast_in_dim3A_33 : vector<128x1xf32> to vector<128x10000xf32>
    %sub3A_35 = arith.subf %select_n3A, %sub3A_34 : vector<128x10000xf32>
    %mul3A_36 = arith.constant 9.99999995E+11 : f32
    %mul3A_37 = vector.broadcast %mul3A_36 : f32 to vector<128x10000xf32>
    %mul3A_38 = arith.mulf %sub3A_35, %mul3A_37 : vector<128x10000xf32>
    %add3A_39 = arith.addf %mul3A_38, %convert_element_type3A_23 : vector<128x10000xf32>
    %reduce_min3A_40 = arith.constant dense<0x7F800000> : vector<128xf32>
    %reduce_min3A_41 = vector.multi_reduction <minimumf>, %add3A_39, %reduce_min3A_40 [1] : vector<128x10000xf32> to vector<128xf32>
    %broadcast_in_dim3A_42 = vector.shape_cast %reduce_min3A_41 : vector<128xf32> to vector<128x1xf32>
    %convert_element_type3A_43 = arith.fptosi %broadcast_in_dim3A_42 : vector<128x1xf32> to vector<128x1xi32>
    %swap3A = arith.constant 0 : index
    %swap3A_44 = arith.constant 0 : index
    %swap3A_45 = arith.constant 0 : index
    %swap3A_46 = vector.load %arg6[%swap3A, %swap3A_44, %swap3A_45] : memref<1x128x16xi32, #tpu.memory_space<vmem>>, vector<1x128x1xi32>
    %swap3A_47 = vector.shape_cast %swap3A_46 : vector<1x128x1xi32> to vector<128x1xi32>
    %swap3A_48 = vector.shape_cast %convert_element_type3A_43 : vector<128x1xi32> to vector<1x128x1xi32>
    tpu.vector_store %arg6[%swap3A, %swap3A_44, %swap3A_45], %swap3A_48 {strides = array<i32>} : memref<1x128x16xi32, #tpu.memory_space<vmem>>, vector<1x128x1xi32>,
    %eq3A_49 = vector.broadcast %broadcast_in_dim3A_42 : vector<128x1xf32> to vector<128x10000xf32>
    %eq3A_50 = arith.cmpf oeq, %convert_element_type3A_23, %eq3A_49 : vector<128x10000xf32>
    %jit3A_51 = arith.constant 1.000000e+10 : f32
    %broadcast_in_dim3A_52 = vector.broadcast %jit3A_51 : f32 to vector<128x10000xf32>
    %select_n3A_53 = arith.select %eq3A_50, %broadcast_in_dim3A_52, %select_n3A : vector<128x10000xi1>, vector<128x10000xf32>
    %reduce_min3A_54 = arith.constant dense<0x7F800000> : vector<128xf32>
    %reduce_min3A_55 = vector.multi_reduction <minimumf>, %select_n3A_53, %reduce_min3A_54 [1] : vector<128x10000xf32> to vector<128xf32>
    %broadcast_in_dim3A_56 = vector.shape_cast %reduce_min3A_55 : vector<128xf32> to vector<128x1xf32>
    %sub3A_57 = vector.broadcast %broadcast_in_dim3A_56 : vector<128x1xf32> to vector<128x10000xf32>
    %sub3A_58 = arith.subf %select_n3A_53, %sub3A_57 : vector<128x10000xf32>
    %mul3A_59 = arith.constant 9.99999995E+11 : f32
    %mul3A_60 = vector.broadcast %mul3A_59 : f32 to vector<128x10000xf32>
    %mul3A_61 = arith.mulf %sub3A_58, %mul3A_60 : vector<128x10000xf32>
    %add3A_62 = arith.addf %mul3A_61, %convert_element_type3A_23 : vector<128x10000xf32>
    %reduce_min3A_63 = arith.constant dense<0x7F800000> : vector<128xf32>
    %reduce_min3A_64 = vector.multi_reduction <minimumf>, %add3A_62, %reduce_min3A_63 [1] : vector<128x10000xf32> to vector<128xf32>
    %broadcast_in_dim3A_65 = vector.shape_cast %reduce_min3A_64 : vector<128xf32> to vector<128x1xf32>
    %convert_element_type3A_66 = arith.fptosi %broadcast_in_dim3A_65 : vector<128x1xf32> to vector<128x1xi32>
    %swap3A_67 = arith.constant 0 : index
    %swap3A_68 = arith.constant 0 : index
    %swap3A_69 = arith.constant 1 : index
    %swap3A_70 = vector.load %arg6[%swap3A_67, %swap3A_68, %swap3A_69] : memref<1x128x16xi32, #tpu.memory_space<vmem>>, vector<1x128x1xi32>
    %swap3A_71 = vector.shape_cast %swap3A_70 : vector<1x128x1xi32> to vector<128x1xi32>
    %swap3A_72 = vector.shape_cast %convert_element_type3A_66 : vector<128x1xi32> to vector<1x128x1xi32>
    tpu.vector_store %arg6[%swap3A_67, %swap3A_68, %swap3A_69], %swap3A_72 {strides = array<i32>} : memref<1x128x16xi32, #tpu.memory_space<vmem>>, vector<1x128x1xi32>,
    %eq3A_73 = vector.broadcast %broadcast_in_dim3A_65 : vector<128x1xf32> to vector<128x10000xf32>
    %eq3A_74 = arith.cmpf oeq, %convert_element_type3A_23, %eq3A_73 : vector<128x10000xf32>
    %jit3A_75 = arith.constant 1.000000e+10 : f32
    %broadcast_in_dim3A_76 = vector.broadcast %jit3A_75 : f32 to vector<128x10000xf32>
    %select_n3A_77 = arith.select %eq3A_74, %broadcast_in_dim3A_76, %select_n3A_53 : vector<128x10000xi1>, vector<128x10000xf32>
    %reduce_min3A_78 = arith.constant dense<0x7F800000> : vector<128xf32>
    %reduce_min3A_79 = vector.multi_reduction <minimumf>, %select_n3A_77, %reduce_min3A_78 [1] : vector<128x10000xf32> to vector<128xf32>
    %broadcast_in_dim3A_80 = vector.shape_cast %reduce_min3A_79 : vector<128xf32> to vector<128x1xf32>
    %sub3A_81 = vector.broadcast %broadcast_in_dim3A_80 : vector<128x1xf32> to vector<128x10000xf32>
    %sub3A_82 = arith.subf %select_n3A_77, %sub3A_81 : vector<128x10000xf32>
    %mul3A_83 = arith.constant 9.99999995E+11 : f32
    %mul3A_84 = vector.broadcast %mul3A_83 : f32 to vector<128x10000xf32>
    %mul3A_85 = arith.mulf %sub3A_82, %mul3A_84 : vector<128x10000xf32>
    %add3A_86 = arith.addf %mul3A_85, %convert_element_type3A_23 : vector<128x10000xf32>
    %reduce_min3A_87 = arith.constant dense<0x7F800000> : vector<128xf32>
    %reduce_min3A_88 = vector.multi_reduction <minimumf>, %add3A_86, %reduce_min3A_87 [1] : vector<128x10000xf32> to vector<128xf32>
    %broadcast_in_dim3A_89 = vector.shape_cast %reduce_min3A_88 : vector<128xf32> to vector<128x1xf32>
    %convert_element_type3A_90 = arith.fptosi %broadcast_in_dim3A_89 : vector<128x1xf32> to vector<128x1xi32>
    %swap3A_91 = arith.constant 0 : index
    %swap3A_92 = arith.constant 0 : index
    %swap3A_93 = arith.constant 2 : index
    %swap3A_94 = vector.load %arg6[%swap3A_91, %swap3A_92, %swap3A_93] : memref<1x128x16xi32, #tpu.memory_space<vmem>>, vector<1x128x1xi32>
    %swap3A_95 = vector.shape_cast %swap3A_94 : vector<1x128x1xi32> to vector<128x1xi32>
    %swap3A_96 = vector.shape_cast %convert_element_type3A_90 : vector<128x1xi32> to vector<1x128x1xi32>
    tpu.vector_store %arg6[%swap3A_91, %swap3A_92, %swap3A_93], %swap3A_96 {strides = array<i32>} : memref<1x128x16xi32, #tpu.memory_space<vmem>>, vector<1x128x1xi32>,
    %eq3A_97 = vector.broadcast %broadcast_in_dim3A_89 : vector<128x1xf32> to vector<128x10000xf32>
    %eq3A_98 = arith.cmpf oeq, %convert_element_type3A_23, %eq3A_97 : vector<128x10000xf32>
    %jit3A_99 = arith.constant 1.000000e+10 : f32
    %broadcast_in_dim3A_100 = vector.broadcast %jit3A_99 : f32 to vector<128x10000xf32>
    %select_n3A_101 = arith.select %eq3A_98, %broadcast_in_dim3A_100, %select_n3A_77 : vector<128x10000xi1>, vector<128x10000xf32>
    %reduce_min3A_102 = arith.constant dense<0x7F800000> : vector<128xf32>
    %reduce_min3A_103 = vector.multi_reduction <minimumf>, %select_n3A_101, %reduce_min3A_102 [1] : vector<128x10000xf32> to vector<128xf32>
    %broadcast_in_dim3A_104 = vector.shape_cast %reduce_min3A_103 : vector<128xf32> to vector<128x1xf32>
    %sub3A_105 = vector.broadcast %broadcast_in_dim3A_104 : vector<128x1xf32> to vector<128x10000xf32>
    %sub3A_106 = arith.subf %select_n3A_101, %sub3A_105 : vector<128x10000xf32>
    %mul3A_107 = arith.constant 9.99999995E+11 : f32
    %mul3A_108 = vector.broadcast %mul3A_107 : f32 to vector<128x10000xf32>
    %mul3A_109 = arith.mulf %sub3A_106, %mul3A_108 : vector<128x10000xf32>
    %add3A_110 = arith.addf %mul3A_109, %convert_element_type3A_23 : vector<128x10000xf32>
    %reduce_min3A_111 = arith.constant dense<0x7F800000> : vector<128xf32>
    %reduce_min3A_112 = vector.multi_reduction <minimumf>, %add3A_110, %reduce_min3A_111 [1] : vector<128x10000xf32> to vector<128xf32>
    %broadcast_in_dim3A_113 = vector.shape_cast %reduce_min3A_112 : vector<128xf32> to vector<128x1xf32>
    %convert_element_type3A_114 = arith.fptosi %broadcast_in_dim3A_113 : vector<128x1xf32> to vector<128x1xi32>
    %swap3A_115 = arith.constant 0 : index
    %swap3A_116 = arith.constant 0 : index
    %swap3A_117 = arith.constant 3 : index
    %swap3A_118 = vector.load %arg6[%swap3A_115, %swap3A_116, %swap3A_117] : memref<1x128x16xi32, #tpu.memory_space<vmem>>, vector<1x128x1xi32>
    %swap3A_119 = vector.shape_cast %swap3A_118 : vector<1x128x1xi32> to vector<128x1xi32>
    %swap3A_120 = vector.shape_cast %convert_element_type3A_114 : vector<128x1xi32> to vector<1x128x1xi32>
    tpu.vector_store %arg6[%swap3A_115, %swap3A_116, %swap3A_117], %swap3A_120 {strides = array<i32>} : memref<1x128x16xi32, #tpu.memory_space<vmem>>, vector<1x128x1xi32>,
    %eq3A_121 = vector.broadcast %broadcast_in_dim3A_113 : vector<128x1xf32> to vector<128x10000xf32>
    %eq3A_122 = arith.cmpf oeq, %convert_element_type3A_23, %eq3A_121 : vector<128x10000xf32>
    %jit3A_123 = arith.constant 1.000000e+10 : f32
    %broadcast_in_dim3A_124 = vector.broadcast %jit3A_123 : f32 to vector<128x10000xf32>
    %select_n3A_125 = arith.select %eq3A_122, %broadcast_in_dim3A_124, %select_n3A_101 : vector<128x10000xi1>, vector<128x10000xf32>
    %reduce_min3A_126 = arith.constant dense<0x7F800000> : vector<128xf32>
    %reduce_min3A_127 = vector.multi_reduction <minimumf>, %select_n3A_125, %reduce_min3A_126 [1] : vector<128x10000xf32> to vector<128xf32>
    %broadcast_in_dim3A_128 = vector.shape_cast %reduce_min3A_127 : vector<128xf32> to vector<128x1xf32>
    %sub3A_129 = vector.broadcast %broadcast_in_dim3A_128 : vector<128x1xf32> to vector<128x10000xf32>
    %sub3A_130 = arith.subf %select_n3A_125, %sub3A_129 : vector<128x10000xf32>
    %mul3A_131 = arith.constant 9.99999995E+11 : f32
    %mul3A_132 = vector.broadcast %mul3A_131 : f32 to vector<128x10000xf32>
    %mul3A_133 = arith.mulf %sub3A_130, %mul3A_132 : vector<128x10000xf32>
    %add3A_134 = arith.addf %mul3A_133, %convert_element_type3A_23 : vector<128x10000xf32>
    %reduce_min3A_135 = arith.constant dense<0x7F800000> : vector<128xf32>
    %reduce_min3A_136 = vector.multi_reduction <minimumf>, %add3A_134, %reduce_min3A_135 [1] : vector<128x10000xf32> to vector<128xf32>
    %broadcast_in_dim3A_137 = vector.shape_cast %reduce_min3A_136 : vector<128xf32> to vector<128x1xf32>
    %convert_element_type3A_138 = arith.fptosi %broadcast_in_dim3A_137 : vector<128x1xf32> to vector<128x1xi32>
    %swap3A_139 = arith.constant 0 : index
    %swap3A_140 = arith.constant 0 : index
    %swap3A_141 = arith.constant 4 : index
    %swap3A_142 = vector.load %arg6[%swap3A_139, %swap3A_140, %swap3A_141] : memref<1x128x16xi32, #tpu.memory_space<vmem>>, vector<1x128x1xi32>
    %swap3A_143 = vector.shape_cast %swap3A_142 : vector<1x128x1xi32> to vector<128x1xi32>
    %swap3A_144 = vector.shape_cast %convert_element_type3A_138 : vector<128x1xi32> to vector<1x128x1xi32>
    tpu.vector_store %arg6[%swap3A_139, %swap3A_140, %swap3A_141], %swap3A_144 {strides = array<i32>} : memref<1x128x16xi32, #tpu.memory_space<vmem>>, vector<1x128x1xi32>,
    %eq3A_145 = vector.broadcast %broadcast_in_dim3A_137 : vector<128x1xf32> to vector<128x10000xf32>
    %eq3A_146 = arith.cmpf oeq, %convert_element_type3A_23, %eq3A_145 : vector<128x10000xf32>
    %jit3A_147 = arith.constant 1.000000e+10 : f32
    %broadcast_in_dim3A_148 = vector.broadcast %jit3A_147 : f32 to vector<128x10000xf32>
    %select_n3A_149 = arith.select %eq3A_146, %broadcast_in_dim3A_148, %select_n3A_125 : vector<128x10000xi1>, vector<128x10000xf32>
    %reduce_min3A_150 = arith.constant dense<0x7F800000> : vector<128xf32>
    %reduce_min3A_151 = vector.multi_reduction <minimumf>, %select_n3A_149, %reduce_min3A_150 [1] : vector<128x10000xf32> to vector<128xf32>
    %broadcast_in_dim3A_152 = vector.shape_cast %reduce_min3A_151 : vector<128xf32> to vector<128x1xf32>
    %sub3A_153 = vector.broadcast %broadcast_in_dim3A_152 : vector<128x1xf32> to vector<128x10000xf32>
    %sub3A_154 = arith.subf %select_n3A_149, %sub3A_153 : vector<128x10000xf32>
    %mul3A_155 = arith.constant 9.99999995E+11 : f32
    %mul3A_156 = vector.broadcast %mul3A_155 : f32 to vector<128x10000xf32>
    %mul3A_157 = arith.mulf %sub3A_154, %mul3A_156 : vector<128x10000xf32>
    %add3A_158 = arith.addf %mul3A_157, %convert_element_type3A_23 : vector<128x10000xf32>
    %reduce_min3A_159 = arith.constant dense<0x7F800000> : vector<128xf32>
    %reduce_min3A_160 = vector.multi_reduction <minimumf>, %add3A_158, %reduce_min3A_159 [1] : vector<128x10000xf32> to vector<128xf32>
    %broadcast_in_dim3A_161 = vector.shape_cast %reduce_min3A_160 : vector<128xf32> to vector<128x1xf32>
    %convert_element_type3A_162 = arith.fptosi %broadcast_in_dim3A_161 : vector<128x1xf32> to vector<128x1xi32>
    %swap3A_163 = arith.constant 0 : index
    %swap3A_164 = arith.constant 0 : index
    %swap3A_165 = arith.constant 5 : index
    %swap3A_166 = vector.load %arg6[%swap3A_163, %swap3A_164, %swap3A_165] : memref<1x128x16xi32, #tpu.memory_space<vmem>>, vector<1x128x1xi32>
    %swap3A_167 = vector.shape_cast %swap3A_166 : vector<1x128x1xi32> to vector<128x1xi32>
    %swap3A_168 = vector.shape_cast %convert_element_type3A_162 : vector<128x1xi32> to vector<1x128x1xi32>
    tpu.vector_store %arg6[%swap3A_163, %swap3A_164, %swap3A_165], %swap3A_168 {strides = array<i32>} : memref<1x128x16xi32, #tpu.memory_space<vmem>>, vector<1x128x1xi32>,
    %eq3A_169 = vector.broadcast %broadcast_in_dim3A_161 : vector<128x1xf32> to vector<128x10000xf32>
    %eq3A_170 = arith.cmpf oeq, %convert_element_type3A_23, %eq3A_169 : vector<128x10000xf32>
    %jit3A_171 = arith.constant 1.000000e+10 : f32
    %broadcast_in_dim3A_172 = vector.broadcast %jit3A_171 : f32 to vector<128x10000xf32>
    %select_n3A_173 = arith.select %eq3A_170, %broadcast_in_dim3A_172, %select_n3A_149 : vector<128x10000xi1>, vector<128x10000xf32>
    %reduce_min3A_174 = arith.constant dense<0x7F800000> : vector<128xf32>
    %reduce_min3A_175 = vector.multi_reduction <minimumf>, %select_n3A_173, %reduce_min3A_174 [1] : vector<128x10000xf32> to vector<128xf32>
    %broadcast_in_dim3A_176 = vector.shape_cast %reduce_min3A_175 : vector<128xf32> to vector<128x1xf32>
    %sub3A_177 = vector.broadcast %broadcast_in_dim3A_176 : vector<128x1xf32> to vector<128x10000xf32>
    %sub3A_178 = arith.subf %select_n3A_173, %sub3A_177 : vector<128x10000xf32>
    %mul3A_179 = arith.constant 9.99999995E+11 : f32
    %mul3A_180 = vector.broadcast %mul3A_179 : f32 to vector<128x10000xf32>
    %mul3A_181 = arith.mulf %sub3A_178, %mul3A_180 : vector<128x10000xf32>
    %add3A_182 = arith.addf %mul3A_181, %convert_element_type3A_23 : vector<128x10000xf32>
    %reduce_min3A_183 = arith.constant dense<0x7F800000> : vector<128xf32>
    %reduce_min3A_184 = vector.multi_reduction <minimumf>, %add3A_182, %reduce_min3A_183 [1] : vector<128x10000xf32> to vector<128xf32>
    %broadcast_in_dim3A_185 = vector.shape_cast %reduce_min3A_184 : vector<128xf32> to vector<128x1xf32>
    %convert_element_type3A_186 = arith.fptosi %broadcast_in_dim3A_185 : vector<128x1xf32> to vector<128x1xi32>
    %swap3A_187 = arith.constant 0 : index
    %swap3A_188 = arith.constant 0 : index
    %swap3A_189 = arith.constant 6 : index
    %swap3A_190 = vector.load %arg6[%swap3A_187, %swap3A_188, %swap3A_189] : memref<1x128x16xi32, #tpu.memory_space<vmem>>, vector<1x128x1xi32>
    %swap3A_191 = vector.shape_cast %swap3A_190 : vector<1x128x1xi32> to vector<128x1xi32>
    %swap3A_192 = vector.shape_cast %convert_element_type3A_186 : vector<128x1xi32> to vector<1x128x1xi32>
    tpu.vector_store %arg6[%swap3A_187, %swap3A_188, %swap3A_189], %swap3A_192 {strides = array<i32>} : memref<1x128x16xi32, #tpu.memory_space<vmem>>, vector<1x128x1xi32>,
    %eq3A_193 = vector.broadcast %broadcast_in_dim3A_185 : vector<128x1xf32> to vector<128x10000xf32>
    %eq3A_194 = arith.cmpf oeq, %convert_element_type3A_23, %eq3A_193 : vector<128x10000xf32>
    %jit3A_195 = arith.constant 1.000000e+10 : f32
    %broadcast_in_dim3A_196 = vector.broadcast %jit3A_195 : f32 to vector<128x10000xf32>
    %select_n3A_197 = arith.select %eq3A_194, %broadcast_in_dim3A_196, %select_n3A_173 : vector<128x10000xi1>, vector<128x10000xf32>
    %reduce_min3A_198 = arith.constant dense<0x7F800000> : vector<128xf32>
    %reduce_min3A_199 = vector.multi_reduction <minimumf>, %select_n3A_197, %reduce_min3A_198 [1] : vector<128x10000xf32> to vector<128xf32>
    %broadcast_in_dim3A_200 = vector.shape_cast %reduce_min3A_199 : vector<128xf32> to vector<128x1xf32>
    %sub3A_201 = vector.broadcast %broadcast_in_dim3A_200 : vector<128x1xf32> to vector<128x10000xf32>
    %sub3A_202 = arith.subf %select_n3A_197, %sub3A_201 : vector<128x10000xf32>
    %mul3A_203 = arith.constant 9.99999995E+11 : f32
    %mul3A_204 = vector.broadcast %mul3A_203 : f32 to vector<128x10000xf32>
    %mul3A_205 = arith.mulf %sub3A_202, %mul3A_204 : vector<128x10000xf32>
    %add3A_206 = arith.addf %mul3A_205, %convert_element_type3A_23 : vector<128x10000xf32>
    %reduce_min3A_207 = arith.constant dense<0x7F800000> : vector<128xf32>
    %reduce_min3A_208 = vector.multi_reduction <minimumf>, %add3A_206, %reduce_min3A_207 [1] : vector<128x10000xf32> to vector<128xf32>
    %broadcast_in_dim3A_209 = vector.shape_cast %reduce_min3A_208 : vector<128xf32> to vector<128x1xf32>
    %convert_element_type3A_210 = arith.fptosi %broadcast_in_dim3A_209 : vector<128x1xf32> to vector<128x1xi32>
    %swap3A_211 = arith.constant 0 : index
    %swap3A_212 = arith.constant 0 : index
    %swap3A_213 = arith.constant 7 : index
    %swap3A_214 = vector.load %arg6[%swap3A_211, %swap3A_212, %swap3A_213] : memref<1x128x16xi32, #tpu.memory_space<vmem>>, vector<1x128x1xi32>
    %swap3A_215 = vector.shape_cast %swap3A_214 : vector<1x128x1xi32> to vector<128x1xi32>
    %swap3A_216 = vector.shape_cast %convert_element_type3A_210 : vector<128x1xi32> to vector<1x128x1xi32>
    tpu.vector_store %arg6[%swap3A_211, %swap3A_212, %swap3A_213], %swap3A_216 {strides = array<i32>} : memref<1x128x16xi32, #tpu.memory_space<vmem>>, vector<1x128x1xi32>,
    %eq3A_217 = vector.broadcast %broadcast_in_dim3A_209 : vector<128x1xf32> to vector<128x10000xf32>
    %eq3A_218 = arith.cmpf oeq, %convert_element_type3A_23, %eq3A_217 : vector<128x10000xf32>
    %jit3A_219 = arith.constant 1.000000e+10 : f32
    %broadcast_in_dim3A_220 = vector.broadcast %jit3A_219 : f32 to vector<128x10000xf32>
    %select_n3A_221 = arith.select %eq3A_218, %broadcast_in_dim3A_220, %select_n3A_197 : vector<128x10000xi1>, vector<128x10000xf32>
    %reduce_min3A_222 = arith.constant dense<0x7F800000> : vector<128xf32>
    %reduce_min3A_223 = vector.multi_reduction <minimumf>, %select_n3A_221, %reduce_min3A_222 [1] : vector<128x10000xf32> to vector<128xf32>
    %broadcast_in_dim3A_224 = vector.shape_cast %reduce_min3A_223 : vector<128xf32> to vector<128x1xf32>
    %sub3A_225 = vector.broadcast %broadcast_in_dim3A_224 : vector<128x1xf32> to vector<128x10000xf32>
    %sub3A_226 = arith.subf %select_n3A_221, %sub3A_225 : vector<128x10000xf32>
    %mul3A_227 = arith.constant 9.99999995E+11 : f32
    %mul3A_228 = vector.broadcast %mul3A_227 : f32 to vector<128x10000xf32>
    %mul3A_229 = arith.mulf %sub3A_226, %mul3A_228 : vector<128x10000xf32>
    %add3A_230 = arith.addf %mul3A_229, %convert_element_type3A_23 : vector<128x10000xf32>
    %reduce_min3A_231 = arith.constant dense<0x7F800000> : vector<128xf32>
    %reduce_min3A_232 = vector.multi_reduction <minimumf>, %add3A_230, %reduce_min3A_231 [1] : vector<128x10000xf32> to vector<128xf32>
    %broadcast_in_dim3A_233 = vector.shape_cast %reduce_min3A_232 : vector<128xf32> to vector<128x1xf32>
    %convert_element_type3A_234 = arith.fptosi %broadcast_in_dim3A_233 : vector<128x1xf32> to vector<128x1xi32>
    %swap3A_235 = arith.constant 0 : index
    %swap3A_236 = arith.constant 0 : index
    %swap3A_237 = arith.constant 8 : index
    %swap3A_238 = vector.load %arg6[%swap3A_235, %swap3A_236, %swap3A_237] : memref<1x128x16xi32, #tpu.memory_space<vmem>>, vector<1x128x1xi32>
    %swap3A_239 = vector.shape_cast %swap3A_238 : vector<1x128x1xi32> to vector<128x1xi32>
    %swap3A_240 = vector.shape_cast %convert_element_type3A_234 : vector<128x1xi32> to vector<1x128x1xi32>
    tpu.vector_store %arg6[%swap3A_235, %swap3A_236, %swap3A_237], %swap3A_240 {strides = array<i32>} : memref<1x128x16xi32, #tpu.memory_space<vmem>>, vector<1x128x1xi32>,
    %eq3A_241 = vector.broadcast %broadcast_in_dim3A_233 : vector<128x1xf32> to vector<128x10000xf32>
    %eq3A_242 = arith.cmpf oeq, %convert_element_type3A_23, %eq3A_241 : vector<128x10000xf32>
    %jit3A_243 = arith.constant 1.000000e+10 : f32
    %broadcast_in_dim3A_244 = vector.broadcast %jit3A_243 : f32 to vector<128x10000xf32>
    %select_n3A_245 = arith.select %eq3A_242, %broadcast_in_dim3A_244, %select_n3A_221 : vector<128x10000xi1>, vector<128x10000xf32>
    %reduce_min3A_246 = arith.constant dense<0x7F800000> : vector<128xf32>
    %reduce_min3A_247 = vector.multi_reduction <minimumf>, %select_n3A_245, %reduce_min3A_246 [1] : vector<128x10000xf32> to vector<128xf32>
    %broadcast_in_dim3A_248 = vector.shape_cast %reduce_min3A_247 : vector<128xf32> to vector<128x1xf32>
    %sub3A_249 = vector.broadcast %broadcast_in_dim3A_248 : vector<128x1xf32> to vector<128x10000xf32>
    %sub3A_250 = arith.subf %select_n3A_245, %sub3A_249 : vector<128x10000xf32>
    %mul3A_251 = arith.constant 9.99999995E+11 : f32
    %mul3A_252 = vector.broadcast %mul3A_251 : f32 to vector<128x10000xf32>
    %mul3A_253 = arith.mulf %sub3A_250, %mul3A_252 : vector<128x10000xf32>
    %add3A_254 = arith.addf %mul3A_253, %convert_element_type3A_23 : vector<128x10000xf32>
    %reduce_min3A_255 = arith.constant dense<0x7F800000> : vector<128xf32>
    %reduce_min3A_256 = vector.multi_reduction <minimumf>, %add3A_254, %reduce_min3A_255 [1] : vector<128x10000xf32> to vector<128xf32>
    %broadcast_in_dim3A_257 = vector.shape_cast %reduce_min3A_256 : vector<128xf32> to vector<128x1xf32>
    %convert_element_type3A_258 = arith.fptosi %broadcast_in_dim3A_257 : vector<128x1xf32> to vector<128x1xi32>
    %swap3A_259 = arith.constant 0 : index
    %swap3A_260 = arith.constant 0 : index
    %swap3A_261 = arith.constant 9 : index
    %swap3A_262 = vector.load %arg6[%swap3A_259, %swap3A_260, %swap3A_261] : memref<1x128x16xi32, #tpu.memory_space<vmem>>, vector<1x128x1xi32>
    %swap3A_263 = vector.shape_cast %swap3A_262 : vector<1x128x1xi32> to vector<128x1xi32>
    %swap3A_264 = vector.shape_cast %convert_element_type3A_258 : vector<128x1xi32> to vector<1x128x1xi32>
    tpu.vector_store %arg6[%swap3A_259, %swap3A_260, %swap3A_261], %swap3A_264 {strides = array<i32>} : memref<1x128x16xi32, #tpu.memory_space<vmem>>, vector<1x128x1xi32>,
    %eq3A_265 = vector.broadcast %broadcast_in_dim3A_257 : vector<128x1xf32> to vector<128x10000xf32>
    %eq3A_266 = arith.cmpf oeq, %convert_element_type3A_23, %eq3A_265 : vector<128x10000xf32>
    %jit3A_267 = arith.constant 1.000000e+10 : f32
    %broadcast_in_dim3A_268 = vector.broadcast %jit3A_267 : f32 to vector<128x10000xf32>
    %select_n3A_269 = arith.select %eq3A_266, %broadcast_in_dim3A_268, %select_n3A_245 : vector<128x10000xi1>, vector<128x10000xf32>
    %reduce_min3A_270 = arith.constant dense<0x7F800000> : vector<128xf32>
    %reduce_min3A_271 = vector.multi_reduction <minimumf>, %select_n3A_269, %reduce_min3A_270 [1] : vector<128x10000xf32> to vector<128xf32>
    %broadcast_in_dim3A_272 = vector.shape_cast %reduce_min3A_271 : vector<128xf32> to vector<128x1xf32>
    %sub3A_273 = vector.broadcast %broadcast_in_dim3A_272 : vector<128x1xf32> to vector<128x10000xf32>
    %sub3A_274 = arith.subf %select_n3A_269, %sub3A_273 : vector<128x10000xf32>
    %mul3A_275 = arith.constant 9.99999995E+11 : f32
    %mul3A_276 = vector.broadcast %mul3A_275 : f32 to vector<128x10000xf32>
    %mul3A_277 = arith.mulf %sub3A_274, %mul3A_276 : vector<128x10000xf32>
    %add3A_278 = arith.addf %mul3A_277, %convert_element_type3A_23 : vector<128x10000xf32>
    %reduce_min3A_279 = arith.constant dense<0x7F800000> : vector<128xf32>
    %reduce_min3A_280 = vector.multi_reduction <minimumf>, %add3A_278, %reduce_min3A_279 [1] : vector<128x10000xf32> to vector<128xf32>
    %broadcast_in_dim3A_281 = vector.shape_cast %reduce_min3A_280 : vector<128xf32> to vector<128x1xf32>
    %convert_element_type3A_282 = arith.fptosi %broadcast_in_dim3A_281 : vector<128x1xf32> to vector<128x1xi32>
    %swap3A_283 = arith.constant 0 : index
    %swap3A_284 = arith.constant 0 : index
    %swap3A_285 = arith.constant 10 : index
    %swap3A_286 = vector.load %arg6[%swap3A_283, %swap3A_284, %swap3A_285] : memref<1x128x16xi32, #tpu.memory_space<vmem>>, vector<1x128x1xi32>
    %swap3A_287 = vector.shape_cast %swap3A_286 : vector<1x128x1xi32> to vector<128x1xi32>
    %swap3A_288 = vector.shape_cast %convert_element_type3A_282 : vector<128x1xi32> to vector<1x128x1xi32>
    tpu.vector_store %arg6[%swap3A_283, %swap3A_284, %swap3A_285], %swap3A_288 {strides = array<i32>} : memref<1x128x16xi32, #tpu.memory_space<vmem>>, vector<1x128x1xi32>,
    %eq3A_289 = vector.broadcast %broadcast_in_dim3A_281 : vector<128x1xf32> to vector<128x10000xf32>
    %eq3A_290 = arith.cmpf oeq, %convert_element_type3A_23, %eq3A_289 : vector<128x10000xf32>
    %jit3A_291 = arith.constant 1.000000e+10 : f32
    %broadcast_in_dim3A_292 = vector.broadcast %jit3A_291 : f32 to vector<128x10000xf32>
    %select_n3A_293 = arith.select %eq3A_290, %broadcast_in_dim3A_292, %select_n3A_269 : vector<128x10000xi1>, vector<128x10000xf32>
    %reduce_min3A_294 = arith.constant dense<0x7F800000> : vector<128xf32>
    %reduce_min3A_295 = vector.multi_reduction <minimumf>, %select_n3A_293, %reduce_min3A_294 [1] : vector<128x10000xf32> to vector<128xf32>
    %broadcast_in_dim3A_296 = vector.shape_cast %reduce_min3A_295 : vector<128xf32> to vector<128x1xf32>
    %sub3A_297 = vector.broadcast %broadcast_in_dim3A_296 : vector<128x1xf32> to vector<128x10000xf32>
    %sub3A_298 = arith.subf %select_n3A_293, %sub3A_297 : vector<128x10000xf32>
    %mul3A_299 = arith.constant 9.99999995E+11 : f32
    %mul3A_300 = vector.broadcast %mul3A_299 : f32 to vector<128x10000xf32>
    %mul3A_301 = arith.mulf %sub3A_298, %mul3A_300 : vector<128x10000xf32>
    %add3A_302 = arith.addf %mul3A_301, %convert_element_type3A_23 : vector<128x10000xf32>
    %reduce_min3A_303 = arith.constant dense<0x7F800000> : vector<128xf32>
    %reduce_min3A_304 = vector.multi_reduction <minimumf>, %add3A_302, %reduce_min3A_303 [1] : vector<128x10000xf32> to vector<128xf32>
    %broadcast_in_dim3A_305 = vector.shape_cast %reduce_min3A_304 : vector<128xf32> to vector<128x1xf32>
    %convert_element_type3A_306 = arith.fptosi %broadcast_in_dim3A_305 : vector<128x1xf32> to vector<128x1xi32>
    %swap3A_307 = arith.constant 0 : index
    %swap3A_308 = arith.constant 0 : index
    %swap3A_309 = arith.constant 11 : index
    %swap3A_310 = vector.load %arg6[%swap3A_307, %swap3A_308, %swap3A_309] : memref<1x128x16xi32, #tpu.memory_space<vmem>>, vector<1x128x1xi32>
    %swap3A_311 = vector.shape_cast %swap3A_310 : vector<1x128x1xi32> to vector<128x1xi32>
    %swap3A_312 = vector.shape_cast %convert_element_type3A_306 : vector<128x1xi32> to vector<1x128x1xi32>
    tpu.vector_store %arg6[%swap3A_307, %swap3A_308, %swap3A_309], %swap3A_312 {strides = array<i32>} : memref<1x128x16xi32, #tpu.memory_space<vmem>>, vector<1x128x1xi32>,
    %eq3A_313 = vector.broadcast %broadcast_in_dim3A_305 : vector<128x1xf32> to vector<128x10000xf32>
    %eq3A_314 = arith.cmpf oeq, %convert_element_type3A_23, %eq3A_313 : vector<128x10000xf32>
    %jit3A_315 = arith.constant 1.000000e+10 : f32
    %broadcast_in_dim3A_316 = vector.broadcast %jit3A_315 : f32 to vector<128x10000xf32>
    %select_n3A_317 = arith.select %eq3A_314, %broadcast_in_dim3A_316, %select_n3A_293 : vector<128x10000xi1>, vector<128x10000xf32>
    %reduce_min3A_318 = arith.constant dense<0x7F800000> : vector<128xf32>
    %reduce_min3A_319 = vector.multi_reduction <minimumf>, %select_n3A_317, %reduce_min3A_318 [1] : vector<128x10000xf32> to vector<128xf32>
    %broadcast_in_dim3A_320 = vector.shape_cast %reduce_min3A_319 : vector<128xf32> to vector<128x1xf32>
    %sub3A_321 = vector.broadcast %broadcast_in_dim3A_320 : vector<128x1xf32> to vector<128x10000xf32>
    %sub3A_322 = arith.subf %select_n3A_317, %sub3A_321 : vector<128x10000xf32>
    %mul3A_323 = arith.constant 9.99999995E+11 : f32
    %mul3A_324 = vector.broadcast %mul3A_323 : f32 to vector<128x10000xf32>
    %mul3A_325 = arith.mulf %sub3A_322, %mul3A_324 : vector<128x10000xf32>
    %add3A_326 = arith.addf %mul3A_325, %convert_element_type3A_23 : vector<128x10000xf32>
    %reduce_min3A_327 = arith.constant dense<0x7F800000> : vector<128xf32>
    %reduce_min3A_328 = vector.multi_reduction <minimumf>, %add3A_326, %reduce_min3A_327 [1] : vector<128x10000xf32> to vector<128xf32>
    %broadcast_in_dim3A_329 = vector.shape_cast %reduce_min3A_328 : vector<128xf32> to vector<128x1xf32>
    %convert_element_type3A_330 = arith.fptosi %broadcast_in_dim3A_329 : vector<128x1xf32> to vector<128x1xi32>
    %swap3A_331 = arith.constant 0 : index
    %swap3A_332 = arith.constant 0 : index
    %swap3A_333 = arith.constant 12 : index
    %swap3A_334 = vector.load %arg6[%swap3A_331, %swap3A_332, %swap3A_333] : memref<1x128x16xi32, #tpu.memory_space<vmem>>, vector<1x128x1xi32>
    %swap3A_335 = vector.shape_cast %swap3A_334 : vector<1x128x1xi32> to vector<128x1xi32>
    %swap3A_336 = vector.shape_cast %convert_element_type3A_330 : vector<128x1xi32> to vector<1x128x1xi32>
    tpu.vector_store %arg6[%swap3A_331, %swap3A_332, %swap3A_333], %swap3A_336 {strides = array<i32>} : memref<1x128x16xi32, #tpu.memory_space<vmem>>, vector<1x128x1xi32>,
    %eq3A_337 = vector.broadcast %broadcast_in_dim3A_329 : vector<128x1xf32> to vector<128x10000xf32>
    %eq3A_338 = arith.cmpf oeq, %convert_element_type3A_23, %eq3A_337 : vector<128x10000xf32>
    %jit3A_339 = arith.constant 1.000000e+10 : f32
    %broadcast_in_dim3A_340 = vector.broadcast %jit3A_339 : f32 to vector<128x10000xf32>
    %select_n3A_341 = arith.select %eq3A_338, %broadcast_in_dim3A_340, %select_n3A_317 : vector<128x10000xi1>, vector<128x10000xf32>
    %reduce_min3A_342 = arith.constant dense<0x7F800000> : vector<128xf32>
    %reduce_min3A_343 = vector.multi_reduction <minimumf>, %select_n3A_341, %reduce_min3A_342 [1] : vector<128x10000xf32> to vector<128xf32>
    %broadcast_in_dim3A_344 = vector.shape_cast %reduce_min3A_343 : vector<128xf32> to vector<128x1xf32>
    %sub3A_345 = vector.broadcast %broadcast_in_dim3A_344 : vector<128x1xf32> to vector<128x10000xf32>
    %sub3A_346 = arith.subf %select_n3A_341, %sub3A_345 : vector<128x10000xf32>
    %mul3A_347 = arith.constant 9.99999995E+11 : f32
    %mul3A_348 = vector.broadcast %mul3A_347 : f32 to vector<128x10000xf32>
    %mul3A_349 = arith.mulf %sub3A_346, %mul3A_348 : vector<128x10000xf32>
    %add3A_350 = arith.addf %mul3A_349, %convert_element_type3A_23 : vector<128x10000xf32>
    %reduce_min3A_351 = arith.constant dense<0x7F800000> : vector<128xf32>
    %reduce_min3A_352 = vector.multi_reduction <minimumf>, %add3A_350, %reduce_min3A_351 [1] : vector<128x10000xf32> to vector<128xf32>
    %broadcast_in_dim3A_353 = vector.shape_cast %reduce_min3A_352 : vector<128xf32> to vector<128x1xf32>
    %convert_element_type3A_354 = arith.fptosi %broadcast_in_dim3A_353 : vector<128x1xf32> to vector<128x1xi32>
    %swap3A_355 = arith.constant 0 : index
    %swap3A_356 = arith.constant 0 : index
    %swap3A_357 = arith.constant 13 : index
    %swap3A_358 = vector.load %arg6[%swap3A_355, %swap3A_356, %swap3A_357] : memref<1x128x16xi32, #tpu.memory_space<vmem>>, vector<1x128x1xi32>
    %swap3A_359 = vector.shape_cast %swap3A_358 : vector<1x128x1xi32> to vector<128x1xi32>
    %swap3A_360 = vector.shape_cast %convert_element_type3A_354 : vector<128x1xi32> to vector<1x128x1xi32>
    tpu.vector_store %arg6[%swap3A_355, %swap3A_356, %swap3A_357], %swap3A_360 {strides = array<i32>} : memref<1x128x16xi32, #tpu.memory_space<vmem>>, vector<1x128x1xi32>,
    %eq3A_361 = vector.broadcast %broadcast_in_dim3A_353 : vector<128x1xf32> to vector<128x10000xf32>
    %eq3A_362 = arith.cmpf oeq, %convert_element_type3A_23, %eq3A_361 : vector<128x10000xf32>
    %jit3A_363 = arith.constant 1.000000e+10 : f32
    %broadcast_in_dim3A_364 = vector.broadcast %jit3A_363 : f32 to vector<128x10000xf32>
    %select_n3A_365 = arith.select %eq3A_362, %broadcast_in_dim3A_364, %select_n3A_341 : vector<128x10000xi1>, vector<128x10000xf32>
    %reduce_min3A_366 = arith.constant dense<0x7F800000> : vector<128xf32>
    %reduce_min3A_367 = vector.multi_reduction <minimumf>, %select_n3A_365, %reduce_min3A_366 [1] : vector<128x10000xf32> to vector<128xf32>
    %broadcast_in_dim3A_368 = vector.shape_cast %reduce_min3A_367 : vector<128xf32> to vector<128x1xf32>
    %sub3A_369 = vector.broadcast %broadcast_in_dim3A_368 : vector<128x1xf32> to vector<128x10000xf32>
    %sub3A_370 = arith.subf %select_n3A_365, %sub3A_369 : vector<128x10000xf32>
    %mul3A_371 = arith.constant 9.99999995E+11 : f32
    %mul3A_372 = vector.broadcast %mul3A_371 : f32 to vector<128x10000xf32>
    %mul3A_373 = arith.mulf %sub3A_370, %mul3A_372 : vector<128x10000xf32>
    %add3A_374 = arith.addf %mul3A_373, %convert_element_type3A_23 : vector<128x10000xf32>
    %reduce_min3A_375 = arith.constant dense<0x7F800000> : vector<128xf32>
    %reduce_min3A_376 = vector.multi_reduction <minimumf>, %add3A_374, %reduce_min3A_375 [1] : vector<128x10000xf32> to vector<128xf32>
    %broadcast_in_dim3A_377 = vector.shape_cast %reduce_min3A_376 : vector<128xf32> to vector<128x1xf32>
    %convert_element_type3A_378 = arith.fptosi %broadcast_in_dim3A_377 : vector<128x1xf32> to vector<128x1xi32>
    %swap3A_379 = arith.constant 0 : index
    %swap3A_380 = arith.constant 0 : index
    %swap3A_381 = arith.constant 14 : index
    %swap3A_382 = vector.load %arg6[%swap3A_379, %swap3A_380, %swap3A_381] : memref<1x128x16xi32, #tpu.memory_space<vmem>>, vector<1x128x1xi32>
    %swap3A_383 = vector.shape_cast %swap3A_382 : vector<1x128x1xi32> to vector<128x1xi32>
    %swap3A_384 = vector.shape_cast %convert_element_type3A_378 : vector<128x1xi32> to vector<1x128x1xi32>
    tpu.vector_store %arg6[%swap3A_379, %swap3A_380, %swap3A_381], %swap3A_384 {strides = array<i32>} : memref<1x128x16xi32, #tpu.memory_space<vmem>>, vector<1x128x1xi32>,
    %eq3A_385 = vector.broadcast %broadcast_in_dim3A_377 : vector<128x1xf32> to vector<128x10000xf32>
    %eq3A_386 = arith.cmpf oeq, %convert_element_type3A_23, %eq3A_385 : vector<128x10000xf32>
    %jit3A_387 = arith.constant 1.000000e+10 : f32
    %broadcast_in_dim3A_388 = vector.broadcast %jit3A_387 : f32 to vector<128x10000xf32>
    %select_n3A_389 = arith.select %eq3A_386, %broadcast_in_dim3A_388, %select_n3A_365 : vector<128x10000xi1>, vector<128x10000xf32>
    %reduce_min3A_390 = arith.constant dense<0x7F800000> : vector<128xf32>
    %reduce_min3A_391 = vector.multi_reduction <minimumf>, %select_n3A_389, %reduce_min3A_390 [1] : vector<128x10000xf32> to vector<128xf32>
    %broadcast_in_dim3A_392 = vector.shape_cast %reduce_min3A_391 : vector<128xf32> to vector<128x1xf32>
    %sub3A_393 = vector.broadcast %broadcast_in_dim3A_392 : vector<128x1xf32> to vector<128x10000xf32>
    %sub3A_394 = arith.subf %select_n3A_389, %sub3A_393 : vector<128x10000xf32>
    %mul3A_395 = arith.constant 9.99999995E+11 : f32
    %mul3A_396 = vector.broadcast %mul3A_395 : f32 to vector<128x10000xf32>
    %mul3A_397 = arith.mulf %sub3A_394, %mul3A_396 : vector<128x10000xf32>
    %add3A_398 = arith.addf %mul3A_397, %convert_element_type3A_23 : vector<128x10000xf32>
    %reduce_min3A_399 = arith.constant dense<0x7F800000> : vector<128xf32>
    %reduce_min3A_400 = vector.multi_reduction <minimumf>, %add3A_398, %reduce_min3A_399 [1] : vector<128x10000xf32> to vector<128xf32>
    %broadcast_in_dim3A_401 = vector.shape_cast %reduce_min3A_400 : vector<128xf32> to vector<128x1xf32>
    %convert_element_type3A_402 = arith.fptosi %broadcast_in_dim3A_401 : vector<128x1xf32> to vector<128x1xi32>
    %swap3A_403 = arith.constant 0 : index
    %swap3A_404 = arith.constant 0 : index
    %swap3A_405 = arith.constant 15 : index
    %swap3A_406 = vector.load %arg6[%swap3A_403, %swap3A_404, %swap3A_405] : memref<1x128x16xi32, #tpu.memory_space<vmem>>, vector<1x128x1xi32>
    %swap3A_407 = vector.shape_cast %swap3A_406 : vector<1x128x1xi32> to vector<128x1xi32>
    %swap3A_408 = vector.shape_cast %convert_element_type3A_402 : vector<128x1xi32> to vector<1x128x1xi32>
    tpu.vector_store %arg6[%swap3A_403, %swap3A_404, %swap3A_405], %swap3A_408 {strides = array<i32>} : memref<1x128x16xi32, #tpu.memory_space<vmem>>, vector<1x128x1xi32>,
    return
  }
  func.func @transform_0(%arg0: i32, %arg1: i32) -> (i32, i32, i32) {
    %c0_i32 = arith.constant 0 : i32
    %c0_i32_0 = arith.constant 0 : i32
    return %arg0, %arg1, %c0_i32 : i32, i32, i32
  }
  func.func @transform_1(%arg0: i32, %arg1: i32) -> (i32, i32, i32) {
    %c0_i32 = arith.constant 0 : i32
    %c0_i32_0 = arith.constant 0 : i32
    %c0_i32_1 = arith.constant 0 : i32
    return %arg0, %c0_i32, %c0_i32_0 : i32, i32, i32
  }
  func.func @transform_2(%arg0: i32, %arg1: i32) -> (i32, i32, i32) {
    %c0_i32 = arith.constant 0 : i32
    %c0_i32_0 = arith.constant 0 : i32
    %c0_i32_1 = arith.constant 0 : i32
    return %arg0, %c0_i32, %c0_i32_0 : i32, i32, i32
  }
  func.func @transform_3(%arg0: i32, %arg1: i32) -> (i32, i32, i32) {
    %mul3A = arith.constant 8 : i32
    %mul3A_0 = arith.muli %arg0, %mul3A : i32
    %add3A = arith.addi %mul3A_0, %arg1 : i32
    %c0_i32 = arith.constant 0 : i32
    %c0_i32_1 = arith.constant 0 : i32
    %c0_i32_2 = arith.constant 0 : i32
    return %add3A, %c0_i32, %c0_i32_1 : i32, i32, i32
  }
  func.func @transform_4(%arg0: i32, %arg1: i32) -> (i32, i32, i32) {
    %c0_i32 = arith.constant 0 : i32
    %c0_i32_0 = arith.constant 0 : i32
    return %arg0, %arg1, %c0_i32 : i32, i32, i32
  }
}

module attributes {stable_mosaic.version = 14 : i64} {
  func.func @_mlp_body(%arg0: i32, %arg1: i32, %arg2: memref<1x2048x128xf32, #tpu.memory_space<vmem>>, %arg3: memref<1x128x128xf32, #tpu.memory_space<vmem>>, %arg4: memref<128x64xf32, #tpu.memory_space<vmem>>, %arg5: memref<1x64xf32, #tpu.memory_space<vmem>>, %arg6: memref<64x64xf32, #tpu.memory_space<vmem>>, %arg7: memref<128x64xf32, #tpu.memory_space<vmem>>, %arg8: memref<1x64xf32, #tpu.memory_space<vmem>>, %arg9: memref<64x64xf32, #tpu.memory_space<vmem>>, %arg10: memref<64x64xf32, #tpu.memory_space<vmem>>, %arg11: memref<128x64xf32, #tpu.memory_space<vmem>>, %arg12: memref<1x64xf32, #tpu.memory_space<vmem>>, %arg13: memref<1x320x128xf32, #tpu.memory_space<vmem>>) attributes {dimension_semantics = [#tpu.dimension_semantics<arbitrary>, #tpu.dimension_semantics<arbitrary>], iteration_bounds = array<i64: 2, 8>, scalar_prefetch = 0 : i64, scratch_operands = 0 : i64, tpu.core_type = #tpu.core_type<tc>, window_params = [{transform_indices = @transform_0, window_bounds = array<i64: 1, 2048, 128>}, {transform_indices = @transform_1, window_bounds = array<i64: 1, 128, 128>}, {pipeline_mode = #tpu.pipeline_mode<synchronous>, transform_indices = @transform_2, window_bounds = array<i64: 128, 64>}, {pipeline_mode = #tpu.pipeline_mode<synchronous>, transform_indices = @transform_3, window_bounds = array<i64: 1, 64>}, {pipeline_mode = #tpu.pipeline_mode<synchronous>, transform_indices = @transform_4, window_bounds = array<i64: 64, 64>}, {pipeline_mode = #tpu.pipeline_mode<synchronous>, transform_indices = @transform_5, window_bounds = array<i64: 128, 64>}, {pipeline_mode = #tpu.pipeline_mode<synchronous>, transform_indices = @transform_6, window_bounds = array<i64: 1, 64>}, {pipeline_mode = #tpu.pipeline_mode<synchronous>, transform_indices = @transform_7, window_bounds = array<i64: 64, 64>}, {pipeline_mode = #tpu.pipeline_mode<synchronous>, transform_indices = @transform_8, window_bounds = array<i64: 64, 64>}, {pipeline_mode = #tpu.pipeline_mode<synchronous>, transform_indices = @transform_9, window_bounds = array<i64: 128, 64>}, {pipeline_mode = #tpu.pipeline_mode<synchronous>, transform_indices = @transform_10, window_bounds = array<i64: 1, 64>}, {transform_indices = @transform_11, window_bounds = array<i64: 1, 320, 128>}]} {
    %get3A = arith.constant 0 : index
    %get3A_0 = arith.constant 0 : index
    %get3A_1 = arith.constant 0 : index
    %get3A_2 = vector.load %arg3[%get3A, %get3A_0, %get3A_1] : memref<1x128x128xf32, #tpu.memory_space<vmem>>, vector<1x128x128xf32>
    %get3A_3 = vector.shape_cast %get3A_2 : vector<1x128x128xf32> to vector<128x128xf32>
    %get3A_4 = arith.constant 0 : index
    %get3A_5 = arith.constant 0 : index
    %get3A_6 = vector.load %arg4[%get3A_4, %get3A_5] : memref<128x64xf32, #tpu.memory_space<vmem>>, vector<128x64xf32>
    %dot_general3A = arith.constant dense<0.000000e+00> : vector<128x64xf32>
    %dot_general3A_7 = tpu.matmul %get3A_3, %get3A_6, %dot_general3A {dimension_numbers = #tpu.dot_dimension_numbers<[1], [0], [0], [1], [0, 0, 1, 1], [], []>, precision = #tpu.contract_precision<fp32>, transpose_lhs_hint = false} : vector<128x128xf32>, vector<128x64xf32>, vector<128x64xf32> -> vector<128x64xf32>
    %get3A_8 = arith.constant 0 : index
    %get3A_9 = arith.constant 0 : index
    %get3A_10 = vector.load %arg5[%get3A_8, %get3A_9] : memref<1x64xf32, #tpu.memory_space<vmem>>, vector<1x64xf32>
    %add3A = vector.broadcast %get3A_10 : vector<1x64xf32> to vector<128x64xf32>
    %add3A_11 = arith.addf %dot_general3A_7, %add3A : vector<128x64xf32>
    %get3A_12 = arith.constant 0 : index
    %get3A_13 = arith.constant 0 : index
    %get3A_14 = vector.load %arg7[%get3A_12, %get3A_13] : memref<128x64xf32, #tpu.memory_space<vmem>>, vector<128x64xf32>
    %dot_general3A_15 = arith.constant dense<0.000000e+00> : vector<128x64xf32>
    %dot_general3A_16 = tpu.matmul %get3A_3, %get3A_14, %dot_general3A_15 {dimension_numbers = #tpu.dot_dimension_numbers<[1], [0], [0], [1], [0, 0, 1, 1], [], []>, precision = #tpu.contract_precision<fp32>, transpose_lhs_hint = false} : vector<128x128xf32>, vector<128x64xf32>, vector<128x64xf32> -> vector<128x64xf32>
    %get3A_17 = arith.constant 0 : index
    %get3A_18 = arith.constant 0 : index
    %get3A_19 = vector.load %arg8[%get3A_17, %get3A_18] : memref<1x64xf32, #tpu.memory_space<vmem>>, vector<1x64xf32>
    %add3A_20 = vector.broadcast %get3A_19 : vector<1x64xf32> to vector<128x64xf32>
    %add3A_21 = arith.addf %dot_general3A_16, %add3A_20 : vector<128x64xf32>
    %get3A_22 = arith.constant 0 : index
    %get3A_23 = arith.constant 0 : index
    %get3A_24 = vector.load %arg11[%get3A_22, %get3A_23] : memref<128x64xf32, #tpu.memory_space<vmem>>, vector<128x64xf32>
    %dot_general3A_25 = arith.constant dense<0.000000e+00> : vector<128x64xf32>
    %dot_general3A_26 = tpu.matmul %get3A_3, %get3A_24, %dot_general3A_25 {dimension_numbers = #tpu.dot_dimension_numbers<[1], [0], [0], [1], [0, 0, 1, 1], [], []>, precision = #tpu.contract_precision<fp32>, transpose_lhs_hint = false} : vector<128x128xf32>, vector<128x64xf32>, vector<128x64xf32> -> vector<128x64xf32>
    %get3A_27 = arith.constant 0 : index
    %get3A_28 = arith.constant 0 : index
    %get3A_29 = vector.load %arg12[%get3A_27, %get3A_28] : memref<1x64xf32, #tpu.memory_space<vmem>>, vector<1x64xf32>
    %add3A_30 = vector.broadcast %get3A_29 : vector<1x64xf32> to vector<128x64xf32>
    %add3A_31 = arith.addf %dot_general3A_26, %add3A_30 : vector<128x64xf32>
    %get3A_32 = arith.constant 0 : index
    %get3A_33 = arith.constant 0 : index
    %get3A_34 = arith.constant 0 : index
    %get3A_35 = vector.load %arg2[%get3A_32, %get3A_33, %get3A_34] : memref<1x2048x128xf32, #tpu.memory_space<vmem>>, vector<1x2048x128xf32>
    %get3A_36 = vector.shape_cast %get3A_35 : vector<1x2048x128xf32> to vector<2048x128xf32>
    %slice3A = vector.extract_strided_slice %get3A_36 {offsets = [0, 0], sizes = [2048, 64], strides = [1, 1]} : vector<2048x128xf32> to vector<2048x64xf32>
    %broadcast_in_dim3A = vector.shape_cast %add3A_11 : vector<128x64xf32> to vector<128x1x64xf32>
    %broadcast_in_dim3A_37 = vector.shape_cast %broadcast_in_dim3A : vector<128x1x64xf32> to vector<128x1x64xf32>
    %broadcast_in_dim3A_38 = vector.broadcast %broadcast_in_dim3A_37 : vector<128x1x64xf32> to vector<128x16x64xf32>
    %reshape3A = vector.shape_cast %broadcast_in_dim3A_38 : vector<128x16x64xf32> to vector<2048x64xf32>
    %broadcast_in_dim3A_39 = vector.shape_cast %add3A_21 : vector<128x64xf32> to vector<128x1x64xf32>
    %broadcast_in_dim3A_40 = vector.shape_cast %broadcast_in_dim3A_39 : vector<128x1x64xf32> to vector<128x1x64xf32>
    %broadcast_in_dim3A_41 = vector.broadcast %broadcast_in_dim3A_40 : vector<128x1x64xf32> to vector<128x16x64xf32>
    %reshape3A_42 = vector.shape_cast %broadcast_in_dim3A_41 : vector<128x16x64xf32> to vector<2048x64xf32>
    %add3A_43 = arith.addf %slice3A, %reshape3A : vector<2048x64xf32>
    %max3A = arith.constant 0.000000e+00 : f32
    %max3A_44 = vector.broadcast %max3A : f32 to vector<2048x64xf32>
    %max3A_45 = arith.maximumf %add3A_43, %max3A_44 : vector<2048x64xf32>
    %get3A_46 = arith.constant 0 : index
    %get3A_47 = arith.constant 0 : index
    %get3A_48 = vector.load %arg6[%get3A_46, %get3A_47] : memref<64x64xf32, #tpu.memory_space<vmem>>, vector<64x64xf32>
    %dot_general3A_49 = arith.constant dense<0.000000e+00> : vector<2048x64xf32>
    %dot_general3A_50 = tpu.matmul %max3A_45, %get3A_48, %dot_general3A_49 {dimension_numbers = #tpu.dot_dimension_numbers<[1], [0], [0], [1], [0, 0, 1, 1], [], []>, precision = #tpu.contract_precision<fp32>, transpose_lhs_hint = false} : vector<2048x64xf32>, vector<64x64xf32>, vector<2048x64xf32> -> vector<2048x64xf32>
    %add3A_51 = arith.addf %dot_general3A_50, %reshape3A_42 : vector<2048x64xf32>
    %max3A_52 = arith.constant 0.000000e+00 : f32
    %max3A_53 = vector.broadcast %max3A_52 : f32 to vector<2048x64xf32>
    %max3A_54 = arith.maximumf %add3A_51, %max3A_53 : vector<2048x64xf32>
    %get3A_55 = arith.constant 0 : index
    %get3A_56 = arith.constant 0 : index
    %get3A_57 = vector.load %arg9[%get3A_55, %get3A_56] : memref<64x64xf32, #tpu.memory_space<vmem>>, vector<64x64xf32>
    %dot_general3A_58 = arith.constant dense<0.000000e+00> : vector<2048x64xf32>
    %dot_general3A_59 = tpu.matmul %max3A_54, %get3A_57, %dot_general3A_58 {dimension_numbers = #tpu.dot_dimension_numbers<[1], [0], [0], [1], [0, 0, 1, 1], [], []>, precision = #tpu.contract_precision<fp32>, transpose_lhs_hint = false} : vector<2048x64xf32>, vector<64x64xf32>, vector<2048x64xf32> -> vector<2048x64xf32>
    %get3A_60 = arith.constant 0 : index
    %get3A_61 = arith.constant 0 : index
    %get3A_62 = vector.load %arg10[%get3A_60, %get3A_61] : memref<64x64xf32, #tpu.memory_space<vmem>>, vector<64x64xf32>
    %dot_general3A_63 = arith.constant dense<0.000000e+00> : vector<2048x64xf32>
    %dot_general3A_64 = tpu.matmul %max3A_45, %get3A_62, %dot_general3A_63 {dimension_numbers = #tpu.dot_dimension_numbers<[1], [0], [0], [1], [0, 0, 1, 1], [], []>, precision = #tpu.contract_precision<fp32>, transpose_lhs_hint = false} : vector<2048x64xf32>, vector<64x64xf32>, vector<2048x64xf32> -> vector<2048x64xf32>
    %add3A_65 = arith.addf %dot_general3A_59, %dot_general3A_64 : vector<2048x64xf32>
    %reshape3A_66 = vector.shape_cast %max3A_45 : vector<2048x64xf32> to vector<128x16x64xf32>
    %reduce_max3A = arith.constant dense<0xFF800000> : vector<128x64xf32>
    %reduce_max3A_67 = vector.multi_reduction <maximumf>, %reshape3A_66, %reduce_max3A [1] : vector<128x16x64xf32> to vector<128x64xf32>
    %reshape3A_68 = vector.shape_cast %max3A_54 : vector<2048x64xf32> to vector<128x16x64xf32>
    %reduce_max3A_69 = arith.constant dense<0xFF800000> : vector<128x64xf32>
    %reduce_max3A_70 = vector.multi_reduction <maximumf>, %reshape3A_68, %reduce_max3A_69 [1] : vector<128x16x64xf32> to vector<128x64xf32>
    %reshape3A_71 = vector.shape_cast %add3A_65 : vector<2048x64xf32> to vector<128x16x64xf32>
    %reduce_max3A_72 = arith.constant dense<0xFF800000> : vector<128x64xf32>
    %reduce_max3A_73 = vector.multi_reduction <maximumf>, %reshape3A_71, %reduce_max3A_72 [1] : vector<128x16x64xf32> to vector<128x64xf32>
    %add3A_74 = arith.addf %reduce_max3A_73, %add3A_31 : vector<128x64xf32>
    %transpose3A = tpu.transpose %add3A_74, [1, 0] : vector<128x64xf32> -> vector<64x128xf32>
    %transpose3A_75 = tpu.transpose %reduce_max3A_70, [1, 0] : vector<128x64xf32> -> vector<64x128xf32>
    %transpose3A_76 = tpu.transpose %reduce_max3A_67, [1, 0] : vector<128x64xf32> -> vector<64x128xf32>
    %transpose3A_77 = tpu.transpose %get3A_3, [1, 0] : vector<128x128xf32> -> vector<128x128xf32>
    %concatenate3A = tpu.concatenate %transpose3A, %transpose3A_75, %transpose3A_76, %transpose3A_77 in 0 : vector<64x128xf32>, vector<64x128xf32>, vector<64x128xf32>, vector<128x128xf32> -> vector<320x128xf32>
    %swap3A = arith.constant 0 : index
    %swap3A_78 = arith.constant 0 : index
    %swap3A_79 = arith.constant 0 : index
    %swap3A_80 = vector.load %arg13[%swap3A, %swap3A_78, %swap3A_79] : memref<1x320x128xf32, #tpu.memory_space<vmem>>, vector<1x320x128xf32>
    %swap3A_81 = vector.shape_cast %swap3A_80 : vector<1x320x128xf32> to vector<320x128xf32>
    %swap3A_82 = vector.shape_cast %concatenate3A : vector<320x128xf32> to vector<1x320x128xf32>
    tpu.vector_store %arg13[%swap3A, %swap3A_78, %swap3A_79], %swap3A_82 {strides = array<i32>} : memref<1x320x128xf32, #tpu.memory_space<vmem>>, vector<1x320x128xf32>,
    return
  }
  func.func @transform_0(%arg0: i32, %arg1: i32) -> (i32, i32, i32) {
    %c0_i32 = arith.constant 0 : i32
    %c0_i32_0 = arith.constant 0 : i32
    return %arg0, %arg1, %c0_i32 : i32, i32, i32
  }
  func.func @transform_1(%arg0: i32, %arg1: i32) -> (i32, i32, i32) {
    %c0_i32 = arith.constant 0 : i32
    %c0_i32_0 = arith.constant 0 : i32
    return %arg0, %arg1, %c0_i32 : i32, i32, i32
  }
  func.func @transform_2(%arg0: i32, %arg1: i32) -> (i32, i32) {
    %c0_i32 = arith.constant 0 : i32
    %c0_i32_0 = arith.constant 0 : i32
    %c0_i32_1 = arith.constant 0 : i32
    return %c0_i32, %c0_i32_0 : i32, i32
  }
  func.func @transform_3(%arg0: i32, %arg1: i32) -> (i32, i32) {
    %c0_i32 = arith.constant 0 : i32
    %c0_i32_0 = arith.constant 0 : i32
    %c0_i32_1 = arith.constant 0 : i32
    return %c0_i32, %c0_i32_0 : i32, i32
  }
  func.func @transform_4(%arg0: i32, %arg1: i32) -> (i32, i32) {
    %c0_i32 = arith.constant 0 : i32
    %c0_i32_0 = arith.constant 0 : i32
    %c0_i32_1 = arith.constant 0 : i32
    return %c0_i32, %c0_i32_0 : i32, i32
  }
  func.func @transform_5(%arg0: i32, %arg1: i32) -> (i32, i32) {
    %c0_i32 = arith.constant 0 : i32
    %c0_i32_0 = arith.constant 0 : i32
    %c0_i32_1 = arith.constant 0 : i32
    return %c0_i32, %c0_i32_0 : i32, i32
  }
  func.func @transform_6(%arg0: i32, %arg1: i32) -> (i32, i32) {
    %c0_i32 = arith.constant 0 : i32
    %c0_i32_0 = arith.constant 0 : i32
    %c0_i32_1 = arith.constant 0 : i32
    return %c0_i32, %c0_i32_0 : i32, i32
  }
  func.func @transform_7(%arg0: i32, %arg1: i32) -> (i32, i32) {
    %c0_i32 = arith.constant 0 : i32
    %c0_i32_0 = arith.constant 0 : i32
    %c0_i32_1 = arith.constant 0 : i32
    return %c0_i32, %c0_i32_0 : i32, i32
  }
  func.func @transform_8(%arg0: i32, %arg1: i32) -> (i32, i32) {
    %c0_i32 = arith.constant 0 : i32
    %c0_i32_0 = arith.constant 0 : i32
    %c0_i32_1 = arith.constant 0 : i32
    return %c0_i32, %c0_i32_0 : i32, i32
  }
  func.func @transform_9(%arg0: i32, %arg1: i32) -> (i32, i32) {
    %c0_i32 = arith.constant 0 : i32
    %c0_i32_0 = arith.constant 0 : i32
    %c0_i32_1 = arith.constant 0 : i32
    return %c0_i32, %c0_i32_0 : i32, i32
  }
  func.func @transform_10(%arg0: i32, %arg1: i32) -> (i32, i32) {
    %c0_i32 = arith.constant 0 : i32
    %c0_i32_0 = arith.constant 0 : i32
    %c0_i32_1 = arith.constant 0 : i32
    return %c0_i32, %c0_i32_0 : i32, i32
  }
  func.func @transform_11(%arg0: i32, %arg1: i32) -> (i32, i32, i32) {
    %c0_i32 = arith.constant 0 : i32
    %c0_i32_0 = arith.constant 0 : i32
    return %arg0, %c0_i32, %arg1 : i32, i32, i32
  }
}

</mosaic_0001>

<sc_bundles>
// kernel: kernel.11.cloned.1.call-start
scs
__scs_entry_jumppad:
0x0: {  	(pc) =	sbr.rel $0x88, $3  }
0x1: {  	(tag) =	ssettag $0x0;
	lr =	simm.s32 $0x1  }
0x2: {  	[smem:$0x3F98] =	sst lr;
	_ =	strace $0xD0000000  }
0x3: {  	_ = 	snop  }
0x4: {  	_ = 	snop  }
0x5: {  	_ = 	snop  }
0x6: {  	_ = 	snop  }
0x7: {  	_ = 	snop  }
__scs_overlays_trampoline_lowered:
0x8: {  	[smem:$0x3FA7] =	sst s0  }
0x9: {  	[smem:$0x3FA8] =	sst s1  }
0xa: {  	[smem:$0x3FA9] =	sst s2  }
0xb: {  	[smem:$0x3FAA] =	sst s3  }
0xc: {  	[smem:$0x3FAB] =	sst s4  }
0xd: {  	[smem:$0x3FAC] =	sst s5  }
0xe: {  	[smem:$0x3FAD] =	sst s6  }
0xf: {  	[smem:$0x3FAE] =	sst s7  }
0x10: {  	[smem:$0x3FAF] =	sst s8  }
0x11: {  	[smem:$0x3FB0] =	sst s9;
	s0 =	simm.s32 @!p0 $0x0  }
0x12: {  	s1 =	sld [smem:$0x3F96];
	s0 =	simm.s32 @p0 $0x1  }
0x13: {  	[smem:$0x3FB1] =	sst s0;
	s0 =	simm.s32 @!p1 $0x0  }
0x14: {  	s2 =	sld [smem:$0x3F95];
	s0 =	simm.s32 @p1 $0x1  }
0x15: {  	[smem:$0x3FB2] =	sst s0;
	s0 =	simm.s32 @!p2 $0x0  }
0x16: {  	s3 =	sld [smem:$0x3FDB];
	s0 =	simm.s32 @p2 $0x1  }
0x17: {  	s4 =	simm.s32 $0x1BF5;
	[smem:$0x3FB4] =	sst s0  }
0x18: {  	s0 =	sld [smem:$0x3F97];
	_ =	swait.ge [sflag:s4], $0x0  }
0x19: {  	s7 =	sld [smem:$0x3F98]  }
0x1a: {  	s8 =	sadd.s32 $0xFFFFE003, lr  }
0x1b: {  	s9 =	sadd.s32 $0xFFFFFEF7, lr;
	s5 =	simm.s32 $0xFFFFFFFF;
	p2 =	slt.u32 s8, $0xFFFFF086  }
0x1c: {  	p1 =	slt.u32 s9, $0xF7A;
	s5 =	simm.s32 @!p2 $0x0  }
0x1d: {  	s5 =	simm.s32 @p1 $0x1;
	p0 =	seq.s32 s7, s2  }
0x1e: {  	s7 =	smul.u32 @!p0 $0xF7A, s2;
	p2 =	seq.s32 @!p0 s5, $0x0  }
0x1f: {  	s9 =	smul.u32 $0xF7A, s1;
	s8 =	simm.s32 @!p0 $0x1BF5;
	p2 =	por !p2, p0  }
0x20: {  	[sflag:s8] =	ssyncset.s32 @!p0 $0xFFFFF086;
	s6 =	sadd.s32 @!p0 s3, s7;
	s7 =	simm.s32 @!p0 $0x108  }
0x21: {  	s3 =	sadd.s32 s3, s9;
	s6 =	sadd.s32 @!p0 $0x88, s6;
	s7 =	simm.s32 @p2 $0x1082  }
0x22: {  	[simem:s7], [sflag:s8] =	dma.local @!p0 [hbm:s6], $0xF7A  }
0x23: {  	s9 =	sor.u32 $0xD0000000, s2;
	s6 =	simm.s32 $0x108;
	_ =	swait.ge @!p0 [sflag:s8], $0x0  }
0x24: {  	s3 =	sadd.s32 $0x88, s3;
	s6 =	simm.s32 @!p1 $0x1082;
	[sflag:s4] =	ssyncset.s32 $0xFFFFF086  }
0x25: {  	[simem:s6], [sflag:s4] =	dma.local [hbm:s3], $0xF7A  }
0x26: {  	[smem:$0x3F98] =	sst s1;
	(tag) =	ssettag s2;
	_ =	strace s9  }
0x27: {  	s1 =	sld [smem:$0x3FA8]  }
0x28: {  	s2 =	sld [smem:$0x3FA9]  }
0x29: {  	s4 =	sld [smem:$0x3FAB]  }
0x2a: {  	p0 =	seq.s32 s5, $0x0;
	s5 =	sld [smem:$0x3FAC]  }
0x2b: {  	s6 =	sld [smem:$0x3FAD]  }
0x2c: {  	s7 =	sld [smem:$0x3FAE]  }
0x2d: {  	s3 =	simm.s32 $0x108;
	s8 =	sld [smem:$0x3FAF]  }
0x2e: {  	s3 =	simm.s32 @!p0 $0x1082;
	s9 =	sld [smem:$0x3FB0]  }
0x2f: {  	lr =	sadd.s32 s0, s3;
	s0 =	sld [smem:$0x3FA7]  }
0x30: {  	s3 =	sld [smem:$0x3FAA]  }
0x31: {  	[smem:$0x3FB3] =	sst s10  }
0x32: {  	s10 =	sld [smem:$0x3FB1];
	_ =	sdelay $0x3  }
0x33: {  	p0 =	seq.s32 s10, $0x1;
	s10 =	sld [smem:$0x3FB3];
	_ =	sdelay $0x3  }
0x34: {  	[smem:$0x3FB3] =	sst s10  }
0x35: {  	s10 =	sld [smem:$0x3FB2];
	_ =	sdelay $0x3  }
0x36: {  	p1 =	seq.s32 s10, $0x1;
	s10 =	sld [smem:$0x3FB3];
	_ =	sdelay $0x3  }
0x37: {  	[smem:$0x3FB3] =	sst s10  }
0x38: {  	s10 =	sld [smem:$0x3FB4]  }
0x39: {  	_ = 	snop;
	(pc) =	sbr.ind lr, $3  }
0x3a: {  	_ = 	snop  }
0x3b: {  	_ = 	snop  }
0x3c: {  	p2 =	seq.s32 s10, $0x1;
	s10 =	sld [smem:$0x3FB3]  }
0x3d: {  	_ =	shalt  }
0x3e: {  	_ =	shalt  }
0x3f: {  	_ =	shalt  }
0x40: {  	_ =	shalt  }
0x41: {  	_ =	shalt  }
0x42: {  	_ =	shalt  }
0x43: {  	_ =	shalt  }
0x44: {  	_ =	shalt  }
0x45: {  	_ =	shalt  }
0x46: {  	_ =	shalt  }
0x47: {  	_ =	shalt  }
0x48: {  	_ =	shalt  }
0x49: {  	_ =	shalt  }
0x4a: {  	_ =	shalt  }
0x4b: {  	_ =	shalt  }
0x4c: {  	_ =	shalt  }
0x4d: {  	_ =	shalt  }
0x4e: {  	_ =	shalt  }
0x4f: {  	_ =	shalt  }
0x50: {  	_ =	shalt  }
0x51: {  	_ =	shalt  }
0x52: {  	_ =	shalt  }
0x53: {  	_ =	shalt  }
0x54: {  	_ =	shalt  }
0x55: {  	_ =	shalt  }
0x56: {  	_ =	shalt  }
0x57: {  	_ =	shalt  }
0x58: {  	_ =	shalt  }
0x59: {  	_ =	shalt  }
0x5a: {  	_ =	shalt  }
0x5b: {  	_ =	shalt  }
0x5c: {  	_ =	shalt  }
0x5d: {  	_ =	shalt  }
0x5e: {  	_ =	shalt  }
0x5f: {  	_ =	shalt  }
0x60: {  	_ =	shalt  }
0x61: {  	_ =	shalt  }
0x62: {  	_ =	shalt  }
0x63: {  	_ =	shalt  }
0x64: {  	_ =	shalt  }
0x65: {  	_ =	shalt  }
0x66: {  	_ =	shalt  }
0x67: {  	_ =	shalt  }
0x68: {  	_ =	shalt  }
0x69: {  	_ =	shalt  }
0x6a: {  	_ =	shalt  }
0x6b: {  	_ =	shalt  }
0x6c: {  	_ =	shalt  }
0x6d: {  	_ =	shalt  }
0x6e: {  	_ =	shalt  }
0x6f: {  	_ =	shalt  }
0x70: {  	_ =	shalt  }
0x71: {  	_ =	shalt  }
0x72: {  	_ =	shalt  }
0x73: {  	_ =	shalt  }
0x74: {  	_ =	shalt  }
0x75: {  	_ =	shalt  }
0x76: {  	_ =	shalt  }
0x77: {  	_ =	shalt  }
0x78: {  	_ =	shalt  }
0x79: {  	_ =	shalt  }
0x7a: {  	_ =	shalt  }
0x7b: {  	_ =	shalt  }
0x7c: {  	_ =	shalt  }
0x7d: {  	_ =	shalt  }
0x7e: {  	_ =	shalt  }
0x7f: {  	_ =	shalt  }
0x80: {  	_ =	shalt  }
0x81: {  	_ =	shalt  }
0x82: {  	_ =	shalt  }
0x83: {  	_ =	shalt  }
0x84: {  	_ =	shalt  }
0x85: {  	_ =	shalt  }
0x86: {  	_ =	shalt  }
0x87: {  	_ =	shalt  }
.Lfunc_end0:
.L_simem_size_0:
called_computation.1_lowered:
.L_overlay_start_0:
0x88: {  	s2 =	sld [smem:$0x3FD9]  }
0x89: {  	s3 =	sld [smem:$0x3FFE];
	_ =	sdelay $0x1  }
0x8a: {  	s1 =	srdreg.scid  }
0x8b: {  	s0 =	sand.u32 $0x1, s1  }
0x8c: {  	s14 =	sshll.u32 s0, $0xA;
	s2 =	sadd.s32 s3, s2  }
0x8d: {  	s2 =	sadd.s32 s2, s14  }
0x8e: {  	[smem:$0x3FBF] =	sst s2  }
0x8f: {  	_ = 	snop  }
0x90: {  	s2 =	sld [smem:$0x3FD0];
	_ =	sdelay $0x2  }
0x91: {  	s15 =	simm.s32 $0xA;
	s4 =	simm.s32 $0x10  }
0x92: {  	[smem:s4], [sflag:s15] =	dma.local [hbm:s2], $0x1  }
0x93: {  	_ =	swait.eq [sflag:s15], $0x1  }
0x94: {  	[sflag:s15] =	ssyncset.done $0x0  }
0x95: {  	[sflag:s15] =	ssyncadd.s32 $0xFFFFFFFF  }
0x96: {  	s16 =	sld [smem:$0x10];
	(tm) =	ssettm $0x1  }
0x97: {  	s17 =	sld [smem:$0x3FFB];
	_ =	sdelay $0x3  }
0x98: {  	_ =	strace s17  }
0x99: {  	s3 =	sld [smem:$0x3FFC];
	_ =	sdelay $0x3  }
0x9a: {  	_ =	strace s3  }
0x9b: {  	s3 =	sld [smem:$0x3FFD];
	_ =	sdelay $0x3  }
0x9c: {  	_ =	strace s3  }
0x9d: {  	_ =	strace $0x8FFFFFFF  }
0x9e: {  	s18 =	sld [smem:$0x3FDB];
	_ =	sdelay $0x1  }
0x9f: {  	s19 =	simm.s32 $_scs_section_size  }
0xa0: {  	s5 =	simm.s32 $_size__tile_overlayer_lowered;
	s6 =	simm.s32 $_tile_overlayer_lowered  }
0xa1: {  	s22 =	simm.s32 $0x1BFF;
	s21 =	sshll.u32 s6, $0x1;
	s3 =	sadd.s32 s19, s18  }
0xa2: {  	s7 =	simm.s32 $0x0;
	s20 =	sshll.u32 s5, $0x1;
	s5 =	sadd.s32 s21, s3  }
0xa3: {  	[timem:s7], [sflag:s22] =	dma.local [hbm:s5], s20  }
0xa4: {  	_ =	swait.ge [sflag:s22], s20  }
0xa5: {  	s4 =	ssub.s32 $0x0, s20;
	[sflag:s22] =	ssyncset.done $0x0  }
0xa6: {  	[sflag:s22] =	ssyncadd.s32 s4;
	_ =	sdelay $0x1  }
0xa7: {  	s23 =	simm.s32 $0x1B8B  }
0xa8: {  	_ =	swait.ge [sflag:s23], $0x1  }
0xa9: {  	[sflag:s23] =	ssyncset.done $0x0  }
0xaa: {  	s25 =	simm.s32 $0x1B8E;
	s24 =	sld [smem:$0x3FFE];
	[sflag:s23] =	ssyncadd.s32 $0xFFFFFFFF  }
0xab: {  	s26 =	simm.s32 $execute0_lowered;
	[smem:$0x3FD2] =	sst s25  }
0xac: {  	s5 =	sshll.u32 s26, $0x1;
	_ =	strace $0x80000049;
	[dreg:$0x1] =	wrdreg $0xFFFFFFFF  }
0xad: {  	s28 =	simm.s32 $_size_execute0_lowered;
	s3 =	sadd.s32 s3, s5;
	[dreg:$0x0] =	wrdreg $0x0  }
0xae: {  	s5 =	sshll.u32 s28, $0x1;
	[dreg:$0x2] =	wrdreg s3  }
0xaf: {  	[dreg:$0x3] =	wrdreg s5  }
0xb0: {  	[dreg:$0x4] =	wrdreg $0xC0  }
0xb1: {  	_ =	task [dreg:s7], $0x5FFFF  }
0xb2: {  	[dreg:$0x1] =	wrdreg $0xFFFFFFFF  }
0xb3: {  	[dreg:$0x0] =	wrdreg $0x60  }
0xb4: {  	[dreg:$0x2] =	wrdreg s24  }
0xb5: {  	[dreg:$0x3] =	wrdreg s16  }
0xb6: {  	[dreg:$0x4] =	wrdreg $0x9  }
0xb7: {  	_ =	task.clear_ibuf [dreg:s7], $0x5FFFF;
	_ =	strace $0x90000049  }
0xb8: {  	s29 =	simm.s32 $0x9;
	_ =	strace $0x8000004B  }
0xb9: {  	_ =	swait.ge [sflag:s29], $0x1  }
0xba: {  	[sflag:s29] =	ssyncadd.s32 $0xFFFFFFFF  }
0xbb: {  	_ =	strace $0x9000004B  }
0xbc: {  	_ =	sfence  }
0xbd: {  	s30 =	sld [smem:$0x0];
	_ =	sdelay $0x2  }
0xbe: {  	s31 =	sshll.u32 s1, $0xD;
	s1 =	sshrl.u32 s1, $0x2  }
0xbf: {  	s3 =	sand.u32 $0x4000, s31;
	s1 =	sadd.s32 s1, s30  }
0xc0: {  	s0 =	sor.u32 s3, s0;
	s1 =	sshll.u32 s1, $0x11  }
0xc1: {  	s0 =	sor.u32 s1, s0  }
0xc2: {  	s0 =	sadd.s32 $0x8F2B, s0  }
0xc3: {  	[sflag:s0] =	ssyncadd.remote.s32 $0x1  }
0xc4: {  	_ =	sfence.sel $0xFFFF  }
0xc5: {  	[dreg:$0x0] =	wrdreg $0xFFFFFFFF;
	(pc) =	sbr.abs _section_cstart, $3  }
0xc6: {  	[dreg:$0x1] =	wrdreg $0xFFFFFFFF  }
0xc7: {  	_ =	task.clear_ibuf [dreg:s7], $0x2FFFF;
	_ =	strace $0x9FFFFFFF  }
0xc8: {  	(tm) =	ssettm $0x7FFFFFFF  }
0xc9: {  	_ =	shalt  }
tec
execute0_lowered:
.L_overlay_start_1:
0x0: {  	(tag) =	ssettag $0x1  }
0x1: {  	s1 =	srdreg.scid  }
0x2: {  	s10 =	rddreg [dreg:$0x0];
	s0 =	stileid.u32;
	s19 =	sand.u32 $0x1, s1  }
0x3: {  	s3 =	rddreg [dreg:$0x1];
	s4 =	sshll.u32 s0, $0xB;
	s5 =	sshll.u32 s19, $0xA  }
0x4: {  	s2 =	simm.s32 $0x0;
	s1 =	rddreg [dreg:$0x2];
	s11 =	sor.u32 s5, s4  }
0x5: {  	[smem:$0x7FF] =	sst s2;
	s4 =	sshrl.u32 s11, $0x3  }
0x6: {  	_ =	strace $0x8000004A;
	s4 =	sadd.s32 s3, s4;
	s3 =	simm.s32 $0x2  }
0x7: {  	[tilespmem:s2], [sflag:$0x2] =	stream.linear.gather [hbm4b:s4+s2], $0x400, $0x38;
	[tilespmem:$0x8400] =	vst v63  }
0x8: {  	_ =	swait.ge [sflag:s3], $0x400  }
0x9: {  	s6 =	simm.s32 $0x80;
	[sflag:s3] =	ssyncset.done $0x0  }
0xa: {  	s7 =	simm.s32 $0x400;
	s5 =	sadd.s32 $0x53800, s10;
	[sflag:s3] =	ssyncadd.s32 $0xFFFFFC00  }
0xb: {  	[tilespmem:s7], [sflag:$0x1] =	stream.indirect.gather [hbm4b:s5+s6], $0x80, s2, s6, $0xb8;
	[tilespmem:$0x8400] =	vst v63  }
0xc: {  	s8 =	simm.s32 $0x4400;
	s9 =	simm.s32 $0x1  }
0xd: {  	[tilespmem:s8], [sflag:$0x1] =	stream.indirect.gather [hbm4b:s5+s6], $0x80, s6, s6, $0xb8;
	[tilespmem:$0x8400] =	vst v63  }
0xe: {  	_ =	swait.ge [sflag:s9], $0x4000  }
0xf: {  	[sflag:s9] =	ssyncset.done $0x0  }
0x10: {  	[sflag:s9] =	ssyncadd.s32 $0xFFFFC000  }
0x11: {  	s11 =	sshll.u32 s11, $0x4;
	_ =	swait.ge [sflag:s9], $0x4000  }
0x12: {  	s20 =	sadd.s32 s11, s10;
	[sflag:s9] =	ssyncset.done $0x0  }
0x13: {  	s10 =	sadd.s32 $0xA1A00, s20;
	[sflag:s9] =	ssyncadd.s32 $0xFFFFC000  }
0x14: {  	[hbm4b:s10+s2] =	stream.linear.scatter [tilespmem:s7], [sflag:$0x2], $0x8000, $0x38;
	[tilespmem:$0x8400] =	vst v63  }
0x15: {  	_ =	swait.ge [sflag:s3], $0x8000  }
0x16: {  	[sflag:s3] =	ssyncset.done $0x0  }
0x17: {  	s11 =	simm.s32 $0x100;
	[sflag:s3] =	ssyncadd.s32 $0xFFFF8000  }
0x18: {  	[tilespmem:s7], [sflag:$0x1] =	stream.indirect.gather [hbm4b:s5+s6], $0x80, s11, s6, $0xb8;
	[tilespmem:$0x8400] =	vst v63  }
0x19: {  	s12 =	simm.s32 $0x180  }
0x1a: {  	[tilespmem:s8], [sflag:$0x1] =	stream.indirect.gather [hbm4b:s5+s6], $0x80, s12, s6, $0xb8;
	[tilespmem:$0x8400] =	vst v63  }
0x1b: {  	_ =	swait.ge [sflag:s9], $0x4000  }
0x1c: {  	[sflag:s9] =	ssyncset.done $0x0  }
0x1d: {  	[sflag:s9] =	ssyncadd.s32 $0xFFFFC000  }
0x1e: {  	_ =	swait.ge [sflag:s9], $0x4000  }
0x1f: {  	[sflag:s9] =	ssyncset.done $0x0  }
0x20: {  	s13 =	sadd.s32 $0xA2A00, s20;
	[sflag:s9] =	ssyncadd.s32 $0xFFFFC000  }
0x21: {  	[hbm4b:s13+s2] =	stream.linear.scatter [tilespmem:s7], [sflag:$0x2], $0x8000, $0x38;
	[tilespmem:$0x8400] =	vst v63  }
0x22: {  	_ =	swait.ge [sflag:s3], $0x8000  }
0x23: {  	[sflag:s3] =	ssyncset.done $0x0  }
0x24: {  	s14 =	simm.s32 $0x200;
	[sflag:s3] =	ssyncadd.s32 $0xFFFF8000  }
0x25: {  	[tilespmem:s7], [sflag:$0x1] =	stream.indirect.gather [hbm4b:s5+s6], $0x80, s14, s6, $0xb8;
	[tilespmem:$0x8400] =	vst v63  }
0x26: {  	s15 =	simm.s32 $0x280  }
0x27: {  	[tilespmem:s8], [sflag:$0x1] =	stream.indirect.gather [hbm4b:s5+s6], $0x80, s15, s6, $0xb8;
	[tilespmem:$0x8400] =	vst v63  }
0x28: {  	_ =	swait.ge [sflag:s9], $0x4000  }
0x29: {  	[sflag:s9] =	ssyncset.done $0x0  }
0x2a: {  	[sflag:s9] =	ssyncadd.s32 $0xFFFFC000  }
0x2b: {  	_ =	swait.ge [sflag:s9], $0x4000  }
0x2c: {  	[sflag:s9] =	ssyncset.done $0x0  }
0x2d: {  	s16 =	sadd.s32 $0xA3A00, s20;
	[sflag:s9] =	ssyncadd.s32 $0xFFFFC000  }
0x2e: {  	[hbm4b:s16+s2] =	stream.linear.scatter [tilespmem:s7], [sflag:$0x2], $0x8000, $0x38;
	[tilespmem:$0x8400] =	vst v63  }
0x2f: {  	_ =	swait.ge [sflag:s3], $0x8000  }
0x30: {  	[sflag:s3] =	ssyncset.done $0x0  }
0x31: {  	s17 =	simm.s32 $0x300;
	[sflag:s3] =	ssyncadd.s32 $0xFFFF8000  }
0x32: {  	[tilespmem:s7], [sflag:$0x1] =	stream.indirect.gather [hbm4b:s5+s6], $0x80, s17, s6, $0xb8;
	[tilespmem:$0x8400] =	vst v63  }
0x33: {  	s18 =	simm.s32 $0x380;
	s19 =	ssub.s32 $0x2, s19  }
0x34: {  	[tilespmem:s8], [sflag:$0x1] =	stream.indirect.gather [hbm4b:s5+s6], $0x80, s18, s6, $0xb8;
	[tilespmem:$0x8400] =	vst v63  }
0x35: {  	s21 =	sshrl.u32 s19, $0x1;
	_ =	swait.ge [sflag:s9], $0x4000  }
0x36: {  	s21 =	ssub.s32 s19, s21;
	[sflag:s9] =	ssyncset.done $0x0  }
0x37: {  	s31 =	smax.u32 s21, $0x1;
	[sflag:s9] =	ssyncadd.s32 $0xFFFFC000  }
0x38: {  	p0 =	sne.s32 s31, $0x1;
	_ =	swait.ge [sflag:s9], $0x4000  }
.Ltmp0:
0x39: {  	[sflag:s9] =	ssyncset.done $0x0;
	(pc) =	sbr.rel @!p0 .LBB2_2-.Ltmp0, $4  }
0x3a: {  	s19 =	sadd.s32 $0xA4A00, s20;
	[sflag:s9] =	ssyncadd.s32 $0xFFFFC000  }
0x3b: {  	[hbm4b:s19+s2] =	stream.linear.scatter [tilespmem:s7], [sflag:$0x2], $0x8000, $0x38;
	[tilespmem:$0x8400] =	vst v63  }
0x3c: {  	_ =	swait.ge [sflag:s3], $0x8000  }
0x3d: {  	s20 =	sadd.s32 $0xFFFFFFFF, s31;
	[sflag:s3] =	ssyncset.done $0x0  }
.LBB2_1:
0x3e: {  	p0 =	sne.s32 s20, $0x1;
	s20 =	sadd.s32 $0xFFFFFFFF, s20;
	[sflag:s3] =	ssyncadd.s32 $0xFFFF8000  }
0x3f: {  	[tilespmem:s2], [sflag:$0x2] =	stream.linear.gather [hbm4b:s4+s2], $0x400, $0x38;
	[tilespmem:$0x8400] =	vst v63  }
0x40: {  	_ =	swait.ge [sflag:s3], $0x400  }
0x41: {  	[sflag:s3] =	ssyncset.done $0x0  }
0x42: {  	[sflag:s3] =	ssyncadd.s32 $0xFFFFFC00  }
0x43: {  	[tilespmem:s7], [sflag:$0x1] =	stream.indirect.gather [hbm4b:s5+s6], $0x80, s2, s6, $0xb8;
	[tilespmem:$0x8400] =	vst v63  }
0x44: {  	_ = 	snop  }
0x45: {  	[tilespmem:s8], [sflag:$0x1] =	stream.indirect.gather [hbm4b:s5+s6], $0x80, s6, s6, $0xb8;
	[tilespmem:$0x8400] =	vst v63  }
0x46: {  	_ =	swait.ge [sflag:s9], $0x4000  }
0x47: {  	[sflag:s9] =	ssyncset.done $0x0  }
0x48: {  	[sflag:s9] =	ssyncadd.s32 $0xFFFFC000  }
0x49: {  	_ =	swait.ge [sflag:s9], $0x4000  }
0x4a: {  	[sflag:s9] =	ssyncset.done $0x0  }
0x4b: {  	[sflag:s9] =	ssyncadd.s32 $0xFFFFC000  }
0x4c: {  	[hbm4b:s10+s2] =	stream.linear.scatter [tilespmem:s7], [sflag:$0x2], $0x8000, $0x38;
	[tilespmem:$0x8400] =	vst v63  }
0x4d: {  	_ =	swait.ge [sflag:s3], $0x8000  }
0x4e: {  	[sflag:s3] =	ssyncset.done $0x0  }
0x4f: {  	[sflag:s3] =	ssyncadd.s32 $0xFFFF8000  }
0x50: {  	[tilespmem:s7], [sflag:$0x1] =	stream.indirect.gather [hbm4b:s5+s6], $0x80, s11, s6, $0xb8;
	[tilespmem:$0x8400] =	vst v63  }
0x51: {  	_ = 	snop  }
0x52: {  	[tilespmem:s8], [sflag:$0x1] =	stream.indirect.gather [hbm4b:s5+s6], $0x80, s12, s6, $0xb8;
	[tilespmem:$0x8400] =	vst v63  }
0x53: {  	_ =	swait.ge [sflag:s9], $0x4000  }
0x54: {  	[sflag:s9] =	ssyncset.done $0x0  }
0x55: {  	[sflag:s9] =	ssyncadd.s32 $0xFFFFC000  }
0x56: {  	_ =	swait.ge [sflag:s9], $0x4000  }
0x57: {  	[sflag:s9] =	ssyncset.done $0x0  }
0x58: {  	[sflag:s9] =	ssyncadd.s32 $0xFFFFC000  }
0x59: {  	[hbm4b:s13+s2] =	stream.linear.scatter [tilespmem:s7], [sflag:$0x2], $0x8000, $0x38;
	[tilespmem:$0x8400] =	vst v63  }
0x5a: {  	_ =	swait.ge [sflag:s3], $0x8000  }
0x5b: {  	[sflag:s3] =	ssyncset.done $0x0  }
0x5c: {  	[sflag:s3] =	ssyncadd.s32 $0xFFFF8000  }
0x5d: {  	[tilespmem:s7], [sflag:$0x1] =	stream.indirect.gather [hbm4b:s5+s6], $0x80, s14, s6, $0xb8;
	[tilespmem:$0x8400] =	vst v63  }
0x5e: {  	_ = 	snop  }
0x5f: {  	[tilespmem:s8], [sflag:$0x1] =	stream.indirect.gather [hbm4b:s5+s6], $0x80, s15, s6, $0xb8;
	[tilespmem:$0x8400] =	vst v63  }
0x60: {  	_ =	swait.ge [sflag:s9], $0x4000  }
0x61: {  	[sflag:s9] =	ssyncset.done $0x0  }
0x62: {  	[sflag:s9] =	ssyncadd.s32 $0xFFFFC000  }
0x63: {  	_ =	swait.ge [sflag:s9], $0x4000  }
0x64: {  	[sflag:s9] =	ssyncset.done $0x0  }
0x65: {  	[sflag:s9] =	ssyncadd.s32 $0xFFFFC000  }
0x66: {  	[hbm4b:s16+s2] =	stream.linear.scatter [tilespmem:s7], [sflag:$0x2], $0x8000, $0x38;
	[tilespmem:$0x8400] =	vst v63  }
0x67: {  	_ =	swait.ge [sflag:s3], $0x8000  }
0x68: {  	[sflag:s3] =	ssyncset.done $0x0  }
0x69: {  	[sflag:s3] =	ssyncadd.s32 $0xFFFF8000  }
0x6a: {  	[tilespmem:s7], [sflag:$0x1] =	stream.indirect.gather [hbm4b:s5+s6], $0x80, s17, s6, $0xb8;
	[tilespmem:$0x8400] =	vst v63  }
0x6b: {  	_ = 	snop  }
0x6c: {  	[tilespmem:s8], [sflag:$0x1] =	stream.indirect.gather [hbm4b:s5+s6], $0x80, s18, s6, $0xb8;
	[tilespmem:$0x8400] =	vst v63  }
0x6d: {  	_ =	swait.ge [sflag:s9], $0x4000  }
0x6e: {  	[sflag:s9] =	ssyncset.done $0x0  }
0x6f: {  	[sflag:s9] =	ssyncadd.s32 $0xFFFFC000  }
0x70: {  	_ =	swait.ge [sflag:s9], $0x4000  }
.Ltmp1:
0x71: {  	[sflag:s9] =	ssyncset.done $0x0;
	(pc) =	sbr.rel @p0 .LBB2_1-.Ltmp1, $4  }
0x72: {  	[sflag:s9] =	ssyncadd.s32 $0xFFFFC000  }
0x73: {  	[hbm4b:s19+s2] =	stream.linear.scatter [tilespmem:s7], [sflag:$0x2], $0x8000, $0x38;
	[tilespmem:$0x8400] =	vst v63  }
0x74: {  	_ =	swait.ge [sflag:s3], $0x8000  }
0x75: {  	[sflag:s3] =	ssyncset.done $0x0  }
.LBB2_2:
0x76: {  	[sflag:s3] =	ssyncadd.s32 $0xFFFF8000  }
0x77: {  	_ =	sfence.sel $0x180000  }
0x78: {  	[bflag:$0x0] =	sbarrier.arrive $0xFFFF  }
0x79: {  	p0 =	sne.s32 s0, $0x0;
	_ =	strace $0x9000004A  }
0x7a: {  	s0 =	sadd.s32 @!p0 $0x100000, s1;
	[bflag:$0x2] =	sbarrier.arrive $0xFFFF  }
0x7b: {  	[sflag:s0] =	ssyncadd.tile.s32 @!p0 $0x1;
	_ =	shalt  }
.Lfunc_end2:
_tile_overlayer_lowered:
.L_overlay_start_2:
0x7c: {  	(tag) =	ssettag $0x2  }
0x7d: {  	s0 =	rddreg [dreg:$0x0];
	s2 =	stileid.u32  }
0x7e: {  	s1 =	rddreg [dreg:$0x1];
	p0 =	sne.s32 s2, $0x0  }
0x7f: {  	s3 =	rddreg [dreg:$0x2];
	[bflag:$0x3] =	sbarrier.arrive $0xFFFF;
	s2 =	simm.s32 @!p0 $0x1C02  }
0x80: {  	[timem:s3], [sflag:s2] =	dma.local @!p0 [hbm:s0], s1  }
0x81: {  	s0 =	simm.s32 @!p0 $0x2  }
0x82: {  	_ =	swait.ge @!p0 [sflag:s0], s1  }
0x83: {  	s1 =	ssub.s32 @!p0 $0x0, s1;
	[sflag:s0] =	ssyncset.done @!p0 $0x0  }
0x84: {  	[sflag:s0] =	ssyncadd.s32 @!p0 s1  }
0x85: {  	[bflag:$0x3] =	sbarrier.arrive $0xFFFF  }
0x86: {  	_ =	shalt  }

// kernel: kernel.8.cloned.1.call-start
scs
__scs_entry_jumppad:
0x0: {  	(pc) =	sbr.rel $0x88, $3  }
0x1: {  	(tag) =	ssettag $0x0;
	lr =	simm.s32 $0x1  }
0x2: {  	[smem:$0x3F98] =	sst lr;
	_ =	strace $0xD0000000  }
0x3: {  	_ = 	snop  }
0x4: {  	_ = 	snop  }
0x5: {  	_ = 	snop  }
0x6: {  	_ = 	snop  }
0x7: {  	_ = 	snop  }
__scs_overlays_trampoline_lowered:
0x8: {  	[smem:$0x3FA7] =	sst s0  }
0x9: {  	[smem:$0x3FA8] =	sst s1  }
0xa: {  	[smem:$0x3FA9] =	sst s2  }
0xb: {  	[smem:$0x3FAA] =	sst s3  }
0xc: {  	[smem:$0x3FAB] =	sst s4  }
0xd: {  	[smem:$0x3FAC] =	sst s5  }
0xe: {  	[smem:$0x3FAD] =	sst s6  }
0xf: {  	[smem:$0x3FAE] =	sst s7  }
0x10: {  	[smem:$0x3FAF] =	sst s8  }
0x11: {  	[smem:$0x3FB0] =	sst s9;
	s0 =	simm.s32 @!p0 $0x0  }
0x12: {  	s1 =	sld [smem:$0x3F96];
	s0 =	simm.s32 @p0 $0x1  }
0x13: {  	[smem:$0x3FB1] =	sst s0;
	s0 =	simm.s32 @!p1 $0x0  }
0x14: {  	s2 =	sld [smem:$0x3F95];
	s0 =	simm.s32 @p1 $0x1  }
0x15: {  	[smem:$0x3FB2] =	sst s0;
	s0 =	simm.s32 @!p2 $0x0  }
0x16: {  	s3 =	sld [smem:$0x3FDB];
	s0 =	simm.s32 @p2 $0x1  }
0x17: {  	s4 =	simm.s32 $0x1BF5;
	[smem:$0x3FB4] =	sst s0  }
0x18: {  	s0 =	sld [smem:$0x3F97];
	_ =	swait.ge [sflag:s4], $0x0  }
0x19: {  	s7 =	sld [smem:$0x3F98]  }
0x1a: {  	s8 =	sadd.s32 $0xFFFFE003, lr  }
0x1b: {  	s9 =	sadd.s32 $0xFFFFFEF7, lr;
	s5 =	simm.s32 $0xFFFFFFFF;
	p2 =	slt.u32 s8, $0xFFFFF086  }
0x1c: {  	p1 =	slt.u32 s9, $0xF7A;
	s5 =	simm.s32 @!p2 $0x0  }
0x1d: {  	s5 =	simm.s32 @p1 $0x1;
	p0 =	seq.s32 s7, s2  }
0x1e: {  	s7 =	smul.u32 @!p0 $0xF7A, s2;
	p2 =	seq.s32 @!p0 s5, $0x0  }
0x1f: {  	s9 =	smul.u32 $0xF7A, s1;
	s8 =	simm.s32 @!p0 $0x1BF5;
	p2 =	por !p2, p0  }
0x20: {  	[sflag:s8] =	ssyncset.s32 @!p0 $0xFFFFF086;
	s6 =	sadd.s32 @!p0 s3, s7;
	s7 =	simm.s32 @!p0 $0x108  }
0x21: {  	s3 =	sadd.s32 s3, s9;
	s6 =	sadd.s32 @!p0 $0x88, s6;
	s7 =	simm.s32 @p2 $0x1082  }
0x22: {  	[simem:s7], [sflag:s8] =	dma.local @!p0 [hbm:s6], $0xF7A  }
0x23: {  	s9 =	sor.u32 $0xD0000000, s2;
	s6 =	simm.s32 $0x108;
	_ =	swait.ge @!p0 [sflag:s8], $0x0  }
0x24: {  	s3 =	sadd.s32 $0x88, s3;
	s6 =	simm.s32 @!p1 $0x1082;
	[sflag:s4] =	ssyncset.s32 $0xFFFFF086  }
0x25: {  	[simem:s6], [sflag:s4] =	dma.local [hbm:s3], $0xF7A  }
0x26: {  	[smem:$0x3F98] =	sst s1;
	(tag) =	ssettag s2;
	_ =	strace s9  }
0x27: {  	s1 =	sld [smem:$0x3FA8]  }
0x28: {  	s2 =	sld [smem:$0x3FA9]  }
0x29: {  	s4 =	sld [smem:$0x3FAB]  }
0x2a: {  	p0 =	seq.s32 s5, $0x0;
	s5 =	sld [smem:$0x3FAC]  }
0x2b: {  	s6 =	sld [smem:$0x3FAD]  }
0x2c: {  	s7 =	sld [smem:$0x3FAE]  }
0x2d: {  	s3 =	simm.s32 $0x108;
	s8 =	sld [smem:$0x3FAF]  }
0x2e: {  	s3 =	simm.s32 @!p0 $0x1082;
	s9 =	sld [smem:$0x3FB0]  }
0x2f: {  	lr =	sadd.s32 s0, s3;
	s0 =	sld [smem:$0x3FA7]  }
0x30: {  	s3 =	sld [smem:$0x3FAA]  }
0x31: {  	[smem:$0x3FB3] =	sst s10  }
0x32: {  	s10 =	sld [smem:$0x3FB1];
	_ =	sdelay $0x3  }
0x33: {  	p0 =	seq.s32 s10, $0x1;
	s10 =	sld [smem:$0x3FB3];
	_ =	sdelay $0x3  }
0x34: {  	[smem:$0x3FB3] =	sst s10  }
0x35: {  	s10 =	sld [smem:$0x3FB2];
	_ =	sdelay $0x3  }
0x36: {  	p1 =	seq.s32 s10, $0x1;
	s10 =	sld [smem:$0x3FB3];
	_ =	sdelay $0x3  }
0x37: {  	[smem:$0x3FB3] =	sst s10  }
0x38: {  	s10 =	sld [smem:$0x3FB4]  }
0x39: {  	_ = 	snop;
	(pc) =	sbr.ind lr, $3  }
0x3a: {  	_ = 	snop  }
0x3b: {  	_ = 	snop  }
0x3c: {  	p2 =	seq.s32 s10, $0x1;
	s10 =	sld [smem:$0x3FB3]  }
0x3d: {  	_ =	shalt  }
0x3e: {  	_ =	shalt  }
0x3f: {  	_ =	shalt  }
0x40: {  	_ =	shalt  }
0x41: {  	_ =	shalt  }
0x42: {  	_ =	shalt  }
0x43: {  	_ =	shalt  }
0x44: {  	_ =	shalt  }
0x45: {  	_ =	shalt  }
0x46: {  	_ =	shalt  }
0x47: {  	_ =	shalt  }
0x48: {  	_ =	shalt  }
0x49: {  	_ =	shalt  }
0x4a: {  	_ =	shalt  }
0x4b: {  	_ =	shalt  }
0x4c: {  	_ =	shalt  }
0x4d: {  	_ =	shalt  }
0x4e: {  	_ =	shalt  }
0x4f: {  	_ =	shalt  }
0x50: {  	_ =	shalt  }
0x51: {  	_ =	shalt  }
0x52: {  	_ =	shalt  }
0x53: {  	_ =	shalt  }
0x54: {  	_ =	shalt  }
0x55: {  	_ =	shalt  }
0x56: {  	_ =	shalt  }
0x57: {  	_ =	shalt  }
0x58: {  	_ =	shalt  }
0x59: {  	_ =	shalt  }
0x5a: {  	_ =	shalt  }
0x5b: {  	_ =	shalt  }
0x5c: {  	_ =	shalt  }
0x5d: {  	_ =	shalt  }
0x5e: {  	_ =	shalt  }
0x5f: {  	_ =	shalt  }
0x60: {  	_ =	shalt  }
0x61: {  	_ =	shalt  }
0x62: {  	_ =	shalt  }
0x63: {  	_ =	shalt  }
0x64: {  	_ =	shalt  }
0x65: {  	_ =	shalt  }
0x66: {  	_ =	shalt  }
0x67: {  	_ =	shalt  }
0x68: {  	_ =	shalt  }
0x69: {  	_ =	shalt  }
0x6a: {  	_ =	shalt  }
0x6b: {  	_ =	shalt  }
0x6c: {  	_ =	shalt  }
0x6d: {  	_ =	shalt  }
0x6e: {  	_ =	shalt  }
0x6f: {  	_ =	shalt  }
0x70: {  	_ =	shalt  }
0x71: {  	_ =	shalt  }
0x72: {  	_ =	shalt  }
0x73: {  	_ =	shalt  }
0x74: {  	_ =	shalt  }
0x75: {  	_ =	shalt  }
0x76: {  	_ =	shalt  }
0x77: {  	_ =	shalt  }
0x78: {  	_ =	shalt  }
0x79: {  	_ =	shalt  }
0x7a: {  	_ =	shalt  }
0x7b: {  	_ =	shalt  }
0x7c: {  	_ =	shalt  }
0x7d: {  	_ =	shalt  }
0x7e: {  	_ =	shalt  }
0x7f: {  	_ =	shalt  }
0x80: {  	_ =	shalt  }
0x81: {  	_ =	shalt  }
0x82: {  	_ =	shalt  }
0x83: {  	_ =	shalt  }
0x84: {  	_ =	shalt  }
0x85: {  	_ =	shalt  }
0x86: {  	_ =	shalt  }
0x87: {  	_ =	shalt  }
.Lfunc_end0:
.L_simem_size_0:
called_computation_lowered:
.L_overlay_start_0:
0x88: {  	s2 =	sld [smem:$0x3FD9]  }
0x89: {  	s3 =	sld [smem:$0x3FFE];
	_ =	sdelay $0x1  }
0x8a: {  	s1 =	srdreg.scid  }
0x8b: {  	s0 =	sand.u32 $0x1, s1  }
0x8c: {  	s14 =	sshll.u32 s0, $0xA;
	s2 =	sadd.s32 s3, s2  }
0x8d: {  	s2 =	sadd.s32 s2, s14  }
0x8e: {  	[smem:$0x3FBF] =	sst s2  }
0x8f: {  	_ = 	snop  }
0x90: {  	s2 =	sld [smem:$0x3FD0];
	_ =	sdelay $0x2  }
0x91: {  	s15 =	simm.s32 $0xA;
	s4 =	simm.s32 $0x10  }
0x92: {  	[smem:s4], [sflag:s15] =	dma.local [hbm:s2], $0x1  }
0x93: {  	_ =	swait.eq [sflag:s15], $0x1  }
0x94: {  	[sflag:s15] =	ssyncset.done $0x0  }
0x95: {  	s16 =	sld [smem:$0x10];
	[sflag:s15] =	ssyncadd.s32 $0xFFFFFFFF  }
0x96: {  	s17 =	sld [smem:$0x11];
	(tm) =	ssettm $0x1  }
0x97: {  	s18 =	sld [smem:$0x3FFB];
	_ =	sdelay $0x3  }
0x98: {  	_ =	strace s18  }
0x99: {  	s4 =	sld [smem:$0x3FFC];
	_ =	sdelay $0x3  }
0x9a: {  	_ =	strace s4  }
0x9b: {  	s4 =	sld [smem:$0x3FFD];
	_ =	sdelay $0x3  }
0x9c: {  	_ =	strace s4  }
0x9d: {  	_ =	strace $0x8FFFFFFF  }
0x9e: {  	s19 =	sld [smem:$0x3FDB];
	_ =	sdelay $0x1  }
0x9f: {  	s5 =	simm.s32 $_scs_section_size  }
0xa0: {  	s6 =	simm.s32 $_size__tile_overlayer_lowered;
	s7 =	simm.s32 $_tile_overlayer_lowered  }
0xa1: {  	s22 =	simm.s32 $0x1BFF;
	s21 =	sshll.u32 s7, $0x1;
	s4 =	sadd.s32 s5, s19  }
0xa2: {  	s8 =	simm.s32 $0x0;
	s20 =	sshll.u32 s6, $0x1;
	s6 =	sadd.s32 s21, s4  }
0xa3: {  	[timem:s8], [sflag:s22] =	dma.local [hbm:s6], s20  }
0xa4: {  	_ =	swait.ge [sflag:s22], s20  }
0xa5: {  	s5 =	ssub.s32 $0x0, s20;
	[sflag:s22] =	ssyncset.done $0x0  }
0xa6: {  	[sflag:s22] =	ssyncadd.s32 s5;
	_ =	sdelay $0x1  }
0xa7: {  	s23 =	simm.s32 $0x1B8B  }
0xa8: {  	_ =	swait.ge [sflag:s23], $0x1  }
0xa9: {  	[sflag:s23] =	ssyncset.done $0x0  }
0xaa: {  	s25 =	simm.s32 $0x1B8E;
	s24 =	sld [smem:$0x3FFE];
	[sflag:s23] =	ssyncadd.s32 $0xFFFFFFFF  }
0xab: {  	s26 =	simm.s32 $execute0_lowered;
	[smem:$0x3FD2] =	sst s25  }
0xac: {  	s6 =	sshll.u32 s26, $0x1;
	_ =	strace $0x80000046;
	[dreg:$0x1] =	wrdreg $0xFFFFFFFF  }
0xad: {  	s28 =	simm.s32 $_size_execute0_lowered;
	s4 =	sadd.s32 s4, s6;
	[dreg:$0x0] =	wrdreg $0x0  }
0xae: {  	s6 =	sshll.u32 s28, $0x1;
	[dreg:$0x2] =	wrdreg s4  }
0xaf: {  	[dreg:$0x3] =	wrdreg s6  }
0xb0: {  	[dreg:$0x4] =	wrdreg $0xC0  }
0xb1: {  	_ =	task [dreg:s8], $0x5FFFF  }
0xb2: {  	[dreg:$0x1] =	wrdreg $0xFFFFFFFF  }
0xb3: {  	[dreg:$0x0] =	wrdreg $0x60  }
0xb4: {  	[dreg:$0x2] =	wrdreg s24  }
0xb5: {  	[dreg:$0x3] =	wrdreg s17  }
0xb6: {  	[dreg:$0x4] =	wrdreg s16  }
0xb7: {  	[dreg:$0x5] =	wrdreg $0x9  }
0xb8: {  	_ =	task.clear_ibuf [dreg:s8], $0x6FFFF;
	_ =	strace $0x90000046  }
0xb9: {  	s29 =	simm.s32 $0x9;
	_ =	strace $0x80000048  }
0xba: {  	_ =	swait.ge [sflag:s29], $0x1  }
0xbb: {  	[sflag:s29] =	ssyncadd.s32 $0xFFFFFFFF  }
0xbc: {  	_ =	strace $0x90000048  }
0xbd: {  	_ =	sfence  }
0xbe: {  	s30 =	sld [smem:$0x0];
	_ =	sdelay $0x2  }
0xbf: {  	s31 =	sshll.u32 s1, $0xD;
	s1 =	sshrl.u32 s1, $0x2  }
0xc0: {  	s3 =	sand.u32 $0x4000, s31;
	s1 =	sadd.s32 s1, s30  }
0xc1: {  	s0 =	sor.u32 s3, s0;
	s1 =	sshll.u32 s1, $0x11  }
0xc2: {  	s0 =	sor.u32 s1, s0  }
0xc3: {  	s0 =	sadd.s32 $0x8F2B, s0  }
0xc4: {  	[sflag:s0] =	ssyncadd.remote.s32 $0x1  }
0xc5: {  	_ =	sfence.sel $0xFFFF  }
0xc6: {  	[dreg:$0x0] =	wrdreg $0xFFFFFFFF;
	(pc) =	sbr.abs _section_cstart, $3  }
0xc7: {  	[dreg:$0x1] =	wrdreg $0xFFFFFFFF  }
0xc8: {  	_ =	task.clear_ibuf [dreg:s8], $0x2FFFF;
	_ =	strace $0x9FFFFFFF  }
0xc9: {  	(tm) =	ssettm $0x7FFFFFFF  }
tec
execute0_lowered:
.L_overlay_start_1:
0x0: {  	(tag) =	ssettag $0x1  }
0x1: {  	s5 =	rddreg [dreg:$0x0]  }
0x2: {  	s1 =	srdreg.scid;
	s3 =	rddreg [dreg:$0x1]  }
0x3: {  	s0 =	stileid.u32;
	s9 =	rddreg [dreg:$0x2];
	s6 =	sand.u32 $0x1, s1  }
0x4: {  	s2 =	simm.s32 $0x0;
	s4 =	sshll.u32 s0, $0x7;
	s7 =	sshll.u32 s6, $0x6  }
0x5: {  	s8 =	simm.s32 $0x1;
	[smem:$0x7FF] =	sst s2;
	s10 =	sor.u32 s7, s4  }
0x6: {  	s1 =	rddreg [dreg:$0x3];
	_ =	strace $0x80000047;
	s4 =	sshrl.u32 s10, $0x3  }
0x7: {  	s11 =	ssub.s32 $0x2, s6;
	s4 =	sadd.s32 s3, s4;
	s3 =	simm.s32 $0x2  }
0x8: {  	[tilespmem:s2], [sflag:$0x2] =	stream.linear.gather [hbm4b:s4+s2], $0x40, $0x38;
	[tilespmem:$0x2080] =	vst v63  }
0x9: {  	s5 =	sadd.s32 $0xA1A00, s5;
	s12 =	sshrl.u32 s11, $0x1;
	_ =	swait.ge [sflag:s3], $0x40  }
0xa: {  	s6 =	simm.s32 $0x40;
	s11 =	ssub.s32 s11, s12;
	[sflag:s3] =	ssyncset.done $0x0  }
0xb: {  	s7 =	simm.s32 $0x80;
	s31 =	smax.u32 s11, $0x1;
	[sflag:s3] =	ssyncadd.s32 $0xFFFFFFC0  }
0xc: {  	[tilespmem:s7], [sflag:$0x1] =	stream.indirect.gather [hbm4b:s5+s6], $0x80, s2, s6, $0xb8;
	[tilespmem:$0x2080] =	vst v63  }
0xd: {  	p0 =	sne.s32 s31, $0x1;
	_ =	swait.ge [sflag:s8], $0x2000  }
.Ltmp0:
0xe: {  	s10 =	sshll.u32 s10, $0x4;
	[sflag:s8] =	ssyncset.done $0x0;
	(pc) =	sbr.rel @!p0 .LBB2_2-.Ltmp0, $4  }
0xf: {  	s9 =	sadd.s32 s9, s10;
	[sflag:s8] =	ssyncadd.s32 $0xFFFFE000  }
0x10: {  	[hbm4b:s9+s2] =	stream.linear.scatter [tilespmem:s7], [sflag:$0x2], $0x2000, $0x38;
	[tilespmem:$0x2080] =	vst v63  }
0x11: {  	_ =	swait.ge [sflag:s3], $0x2000  }
0x12: {  	s10 =	sadd.s32 $0xFFFFFFFF, s31;
	[sflag:s3] =	ssyncset.done $0x0  }
.LBB2_1:
0x13: {  	p0 =	sne.s32 s10, $0x1;
	s10 =	sadd.s32 $0xFFFFFFFF, s10;
	[sflag:s3] =	ssyncadd.s32 $0xFFFFE000  }
0x14: {  	[tilespmem:s2], [sflag:$0x2] =	stream.linear.gather [hbm4b:s4+s2], $0x40, $0x38;
	[tilespmem:$0x2080] =	vst v63  }
0x15: {  	_ =	swait.ge [sflag:s3], $0x40  }
0x16: {  	[sflag:s3] =	ssyncset.done $0x0  }
0x17: {  	[sflag:s3] =	ssyncadd.s32 $0xFFFFFFC0  }
0x18: {  	[tilespmem:s7], [sflag:$0x1] =	stream.indirect.gather [hbm4b:s5+s6], $0x80, s2, s6, $0xb8;
	[tilespmem:$0x2080] =	vst v63  }
0x19: {  	_ =	swait.ge [sflag:s8], $0x2000  }
.Ltmp1:
0x1a: {  	[sflag:s8] =	ssyncset.done $0x0;
	(pc) =	sbr.rel @p0 .LBB2_1-.Ltmp1, $4  }
0x1b: {  	[sflag:s8] =	ssyncadd.s32 $0xFFFFE000  }
0x1c: {  	[hbm4b:s9+s2] =	stream.linear.scatter [tilespmem:s7], [sflag:$0x2], $0x2000, $0x38;
	[tilespmem:$0x2080] =	vst v63  }
0x1d: {  	_ =	swait.ge [sflag:s3], $0x2000  }
0x1e: {  	[sflag:s3] =	ssyncset.done $0x0  }
.LBB2_2:
0x1f: {  	[sflag:s3] =	ssyncadd.s32 $0xFFFFE000  }
0x20: {  	_ =	sfence.sel $0x180000  }
0x21: {  	[bflag:$0x0] =	sbarrier.arrive $0xFFFF  }
0x22: {  	p0 =	sne.s32 s0, $0x0;
	_ =	strace $0x90000047  }
0x23: {  	s0 =	sadd.s32 @!p0 $0x100000, s1;
	[bflag:$0x2] =	sbarrier.arrive $0xFFFF  }
0x24: {  	[sflag:s0] =	ssyncadd.tile.s32 @!p0 $0x1;
	_ =	shalt  }
.Lfunc_end2:
_tile_overlayer_lowered:
.L_overlay_start_2:
0x25: {  	(tag) =	ssettag $0x2  }
0x26: {  	s0 =	rddreg [dreg:$0x0];
	s2 =	stileid.u32  }
0x27: {  	s1 =	rddreg [dreg:$0x1];
	p0 =	sne.s32 s2, $0x0  }
0x28: {  	s3 =	rddreg [dreg:$0x2];
	[bflag:$0x3] =	sbarrier.arrive $0xFFFF;
	s2 =	simm.s32 @!p0 $0x1C02  }
0x29: {  	[timem:s3], [sflag:s2] =	dma.local @!p0 [hbm:s0], s1  }
0x2a: {  	s0 =	simm.s32 @!p0 $0x2  }
0x2b: {  	_ =	swait.ge @!p0 [sflag:s0], s1  }
0x2c: {  	s1 =	ssub.s32 @!p0 $0x0, s1;
	[sflag:s0] =	ssyncset.done @!p0 $0x0  }
0x2d: {  	[sflag:s0] =	ssyncadd.s32 @!p0 s1  }
0x2e: {  	[bflag:$0x3] =	sbarrier.arrive $0xFFFF  }
0x2f: {  	_ =	shalt  }

</sc_bundles>
